<compile_context>
chip_gen: v7x
topology: tpu7x:2x2x1
jax: 0.10.2.dev20260603
libtpu: 0.0.44.dev20260713+nightly
codegen_flags: <defaults>
</compile_context>

<pallas_src>
import dataclasses
import functools

import jax
import jax.numpy as jnp
from jax import lax
from jax.experimental import pallas as pl
from jax.experimental.pallas import tpu as pltpu
from jax.experimental.pallas import tpu_sc as plsc

NC = 2
NS = 16
NW = NC * NS
CHUNK = 128


def _sc_mesh():
    return plsc.VectorSubcoreMesh(core_axis_name="c", subcore_axis_name="s")


def _sc_compiler_params():
    cp = pltpu.CompilerParams()
    if "needs_layout_passes" in pltpu.CompilerParams.__dataclass_fields__:
        cp = dataclasses.replace(cp, needs_layout_passes=False)
    return cp


@functools.lru_cache(maxsize=None)
def _make_deg(n_chunks, Np):
    cpw = n_chunks // NW

    @functools.partial(
        pl.kernel,
        mesh=_sc_mesh(),
        compiler_params=_sc_compiler_params(),
        out_type=jax.ShapeDtypeStruct((NC, NS, Np), jnp.float32),
        scratch_types=[
            pltpu.VMEM((cpw, CHUNK), jnp.int32),
            pltpu.VMEM((Np,), jnp.float32),
        ],
    )
    def deg_kernel(dst_hbm, out_hbm, dst_v, hist_v):
        c = lax.axis_index("c")
        s = lax.axis_index("s")
        wid = s * NC + c
        zeros = jnp.zeros((16,), jnp.float32)
        ones = jnp.ones((16,), jnp.float32)

        pltpu.sync_copy(dst_hbm.at[pl.ds(wid * cpw, cpw)], dst_v)

        @pl.loop(0, Np, step=16)
        def _(i):
            hist_v[pl.ds(i, 16)] = zeros

        @pl.loop(0, cpw)
        def _(t):
            @pl.loop(0, CHUNK, step=16)
            def _(j):
                plsc.addupdate_scatter(hist_v, [dst_v[t, pl.ds(j, 16)]], ones)

        pltpu.sync_copy(hist_v, out_hbm.at[c].at[s])

    return deg_kernel


@functools.lru_cache(maxsize=None)
def _make_agg(n_chunks, Np, D):
    rows = Np // NS

    @functools.partial(
        pl.kernel,
        mesh=_sc_mesh(),
        compiler_params=_sc_compiler_params(),
        out_type=jax.ShapeDtypeStruct((NC, Np, D), jnp.float32),
        scratch_types=[
            pltpu.VMEM((CHUNK,), jnp.int32),
            pltpu.VMEM((CHUNK,), jnp.int32),
            pltpu.VMEM((CHUNK, D), jnp.float32),
            pltpu.VMEM_SHARED((Np, D), jnp.float32),
        ],
    )
    def agg_kernel(u_hbm, src_hbm, dst_hbm, zeros_hbm, out_hbm,
                   src_v, dst_v, rows_v, acc_sh):
        c = lax.axis_index("c")
        s = lax.axis_index("s")
        wid = s * NC + c

        pltpu.sync_copy(zeros_hbm.at[pl.ds(s * rows, rows)],
                        acc_sh.at[pl.ds(s * rows, rows)])
        plsc.subcore_barrier()

        @pl.loop(wid, n_chunks, step=NW)
        def _(t):
            pltpu.sync_copy(src_hbm.at[pl.ds(t * CHUNK, CHUNK)], src_v)
            pltpu.sync_copy(dst_hbm.at[pl.ds(t * CHUNK, CHUNK)], dst_v)
            pltpu.sync_copy(u_hbm.at[src_v], rows_v)
            pltpu.sync_copy(rows_v, acc_sh.at[dst_v], add=True)

        plsc.subcore_barrier()
        pltpu.sync_copy(acc_sh.at[pl.ds(s * rows, rows)],
                        out_hbm.at[c].at[pl.ds(s * rows, rows)])

    return agg_kernel


_BN = 1000


def _mm_body(x_ref, w_ref, o_ref):
    o_ref[...] = jnp.dot(x_ref[...], w_ref[...],
                         preferred_element_type=jnp.float32)


def _tc_matmul(x, W):
    Nn, K = x.shape
    D = W.shape[1]
    return pl.pallas_call(
        _mm_body,
        grid=(Nn // _BN,),
        in_specs=[pl.BlockSpec((_BN, K), lambda i: (i, 0)),
                  pl.BlockSpec((K, D), lambda i: (0, 0))],
        out_specs=pl.BlockSpec((_BN, D), lambda i: (i, 0)),
        out_shape=jax.ShapeDtypeStruct((Nn, D), jnp.float32),
    )(x, W)


def _scale_body(deg_ref, h_ref, o_ref):
    dinv = lax.rsqrt(deg_ref[...])
    o_ref[...] = h_ref[...] * dinv


def _tc_scale(deg, h):
    Nn, D = h.shape
    return pl.pallas_call(
        _scale_body,
        grid=(Nn // _BN,),
        in_specs=[pl.BlockSpec((_BN, 1), lambda i: (i, 0)),
                  pl.BlockSpec((_BN, D), lambda i: (i, 0))],
        out_specs=pl.BlockSpec((_BN, D), lambda i: (i, 0)),
        out_shape=jax.ShapeDtypeStruct((Nn, D), jnp.float32),
    )(deg, h)


def _layer_body(deg_ref, u_ref, p_ref, b_ref, w_ref, o_ref):
    dinv = lax.rsqrt(deg_ref[...])
    agg = u_ref[...] + p_ref[0] + p_ref[1]
    h = jnp.maximum(agg * dinv + b_ref[...], 0.0)
    o_ref[...] = jnp.dot(h, w_ref[...],
                         preferred_element_type=jnp.float32) * dinv


def _tc_layer(deg, u, p, b, W):
    Nn, D = u.shape
    D2 = W.shape[1]
    return pl.pallas_call(
        _layer_body,
        grid=(Nn // _BN,),
        in_specs=[pl.BlockSpec((_BN, 1), lambda i: (i, 0)),
                  pl.BlockSpec((_BN, D), lambda i: (i, 0)),
                  pl.BlockSpec((NC, _BN, D), lambda i: (0, i, 0)),
                  pl.BlockSpec((1, D), lambda i: (0, 0)),
                  pl.BlockSpec((D, D2), lambda i: (0, 0))],
        out_specs=pl.BlockSpec((_BN, D2), lambda i: (i, 0)),
        out_shape=jax.ShapeDtypeStruct((Nn, D2), jnp.float32),
    )(deg, u, p, b, W)


def _final_body(deg_ref, u_ref, p_ref, b_ref, o_ref):
    dinv = lax.rsqrt(deg_ref[...])
    agg = u_ref[...] + p_ref[0] + p_ref[1]
    h = jnp.maximum(agg * dinv + b_ref[...], 0.0)
    nrm = jnp.sqrt(jnp.sum(h * h, axis=1, keepdims=True))
    o_ref[...] = h / jnp.maximum(nrm, 1e-12)


def _tc_final(deg, u, p, b):
    Nn, D = u.shape
    return pl.pallas_call(
        _final_body,
        grid=(Nn // _BN,),
        in_specs=[pl.BlockSpec((_BN, 1), lambda i: (i, 0)),
                  pl.BlockSpec((_BN, D), lambda i: (i, 0)),
                  pl.BlockSpec((NC, _BN, D), lambda i: (0, i, 0)),
                  pl.BlockSpec((1, D), lambda i: (0, 0))],
        out_specs=pl.BlockSpec((_BN, D), lambda i: (i, 0)),
        out_shape=jax.ShapeDtypeStruct((Nn, D), jnp.float32),
    )(deg, u, p, b)


def kernel(x, edge_index, W1, b1, W2, b2):
    Nn, _ = x.shape
    Dh = W1.shape[1]
    E = edge_index.shape[1]

    Np = -(-Nn // (NS * 8)) * (NS * 8)

    src1 = edge_index[0]
    dst1 = edge_index[1]
    n_chunks = E // CHUNK

    nc_deg = 8 * NW * (-(-E // (CHUNK * 8 * NW)))
    pad = nc_deg * CHUNK - E
    pad_dst = Nn + jnp.arange(pad, dtype=jnp.int32) % jnp.int32(Np - Nn)
    dst2 = jnp.concatenate([dst1, pad_dst]).reshape(-1, CHUNK)

    zerosD = jnp.zeros((Np, Dh), jnp.float32)

    degp = _make_deg(nc_deg, Np)(dst2)
    h1 = _tc_matmul(x, W1)
    deg = (1.0 + degp.sum((0, 1))[:Nn])[:, None]

    u1 = _tc_scale(deg, h1)
    p1 = _make_agg(n_chunks, Np, Dh)(u1, src1, dst1, zerosD)
    u2 = _tc_layer(deg, u1, p1, b1.reshape(1, -1), W2)
    p2 = _make_agg(n_chunks, Np, Dh)(u2, src1, dst1, zerosD)
    return _tc_final(deg, u2, p2, b2.reshape(1, -1))

# --- scband reference (transcript-rebuilt; emitter-appended) ---
"""Pipeline reference for scband-gcnlink-prediction-41059887350301 (READ-ONLY COPY).

The authoritative reference and input builder live on the scoring server;
editing this copy changes nothing except your own understanding.
"""

import jax, jax.numpy as jnp
import numpy as np

N = 10000
E = 320000
D_IN = 128
D_H = 128

def setup_inputs(seed: int = 0) -> dict:
    key = jax.random.key(seed)
    k1, k2, k3, k4 = jax.random.split(key, 4)
    x = jax.random.normal(k1, (N, D_IN), dtype=jnp.float32)
    edge_index = jax.random.randint(k2, (2, E), 0, N, dtype=jnp.int32)
    W1 = jax.random.normal(k3, (D_IN, D_H), dtype=jnp.float32) * (1.0 / np.sqrt(D_IN))
    b1 = jnp.zeros((D_H,), dtype=jnp.float32)
    W2 = jax.random.normal(k4, (D_H, D_H), dtype=jnp.float32) * (1.0 / np.sqrt(D_H))
    b2 = jnp.zeros((D_H,), dtype=jnp.float32)
    return {"x": x, "edge_index": edge_index, "W1": W1, "b1": b1, "W2": W2, "b2": b2}

def _gcn_conv(x, edge_index, W, b):
    # Faithful PyG GCNConv: add self-loops, symmetric normalization, scatter-add aggregation
    n = x.shape[0]
    h = x @ W
    loop = jnp.arange(n, dtype=edge_index.dtype)
    src = jnp.concatenate([edge_index[0], loop])
    dst = jnp.concatenate([edge_index[1], loop])
    deg = jnp.zeros((n,), dtype=h.dtype).at[dst].add(1.0)
    deg_inv_sqrt = jnp.where(deg > 0, jax.lax.rsqrt(deg), 0.0)
    norm = deg_inv_sqrt[src] * deg_inv_sqrt[dst]
    msg = h[src] * norm[:, None]
    out = jnp.zeros_like(h).at[dst].add(msg)
    return out + b

def reference(x, edge_index, W1, b1, W2, b2):
    # layer 1
    h = _gcn_conv(x, edge_index, W1, b1)
    h = jax.nn.relu(h)
    # dropout skipped (eval mode)
    # layer 2
    h = _gcn_conv(h, edge_index, W2, b2)
    h = jax.nn.relu(h)
    # F.normalize(p=2, dim=1, eps=1e-12)
    nrm = jnp.maximum(jnp.linalg.norm(h, axis=1, keepdims=True), 1e-12)
    return h / nrm

if __name__ == "__main__":
    import jax
    _d = setup_inputs()
    print(jax.jit(kernel)(*tuple(_d.values())))

</pallas_src>

<mosaic_0001>
#map = affine_map<(d0, d1) -> (0, 0)>
#map1 = affine_map<(d0, d1) -> (0, 0, 0)>
module attributes {stable_mosaic.version = 14 : i64} {
  func.func @deg_kernel(%arg0: i32, %arg1: i32, %arg2: memref<2560x128xi32, #tpu.memory_space<hbm>>, %arg3: memref<2x16x10112xf32, #tpu.memory_space<hbm>>, %arg4: memref<80x128xi32, #tpu.memory_space<vmem>>, %arg5: memref<10112xf32, #tpu.memory_space<vmem>>) attributes {dimension_semantics = [#tpu.dimension_semantics<core_parallel>, #tpu.dimension_semantics<subcore_parallel>], iteration_bounds = array<i64: 2, 16>, scalar_prefetch = 0 : i64, scratch_operands = 2 : i64, tpu.core_type = #tpu.core_type<sc_vector_subcore>, window_params = [{transform_indices = #map}, {transform_indices = #map1}]} {
    %mul3A = arith.constant 2 : i32
    %mul3A_0 = arith.muli %arg1, %mul3A : i32
    %add3A = arith.addi %mul3A_0, %arg0 : i32
    %broadcast_in_dim3A = arith.constant 0.000000e+00 : f32
    %broadcast_in_dim3A_1 = vector.broadcast %broadcast_in_dim3A : f32 to vector<16xf32>
    %broadcast_in_dim3A_2 = arith.constant 1.000000e+00 : f32
    %broadcast_in_dim3A_3 = vector.broadcast %broadcast_in_dim3A_2 : f32 to vector<16xf32>
    %mul3A_4 = arith.constant 80 : i32
    %mul3A_5 = arith.muli %add3A, %mul3A_4 : i32
    "tpu.region"() ({
      %run_scoped3A = tpu.sem_alloc : memref<!tpu.dma_semaphore, #tpu.memory_space<semaphore_mem>>
      %dma_start3A = arith.constant 0 : i32
      %dma_start3A_15 = tpu.memref_slice %arg2[%mul3A_5, %dma_start3A] : memref<2560x128xi32, #tpu.memory_space<hbm>> -> memref<80x128xi32, #tpu.memory_space<hbm>>
      %dma_start3A_16 = arith.constant 0 : i32
      %dma_start3A_17 = tpu.memref_slice %arg2[%mul3A_5, %dma_start3A_16] : memref<2560x128xi32, #tpu.memory_space<hbm>> -> memref<80x128xi32, #tpu.memory_space<hbm>>
      tpu.enqueue_dma source(%dma_start3A_17 : memref<80x128xi32, #tpu.memory_space<hbm>>) target(%arg4 : memref<80x128xi32, #tpu.memory_space<vmem>>) target_semaphore(%run_scoped3A : memref<!tpu.dma_semaphore, #tpu.memory_space<semaphore_mem>>)
      %dma_wait3A = arith.constant 0 : i32
      %dma_wait3A_18 = tpu.memref_slice %arg2[%mul3A_5, %dma_wait3A] : memref<2560x128xi32, #tpu.memory_space<hbm>> -> memref<80x128xi32, #tpu.memory_space<hbm>>
      %dma_wait3A_19 = arith.constant 0 : i32
      %dma_wait3A_20 = tpu.memref_slice %arg2[%mul3A_5, %dma_wait3A_19] : memref<2560x128xi32, #tpu.memory_space<hbm>> -> memref<80x128xi32, #tpu.memory_space<hbm>>
      tpu.wait_dma2 semaphore(%run_scoped3A : memref<!tpu.dma_semaphore, #tpu.memory_space<semaphore_mem>>) src(%dma_wait3A_20 : memref<80x128xi32, #tpu.memory_space<hbm>>) dst(%arg4 : memref<80x128xi32, #tpu.memory_space<vmem>>)
      tpu.yield
    }) : () -> ()
    %scan3A = arith.constant 0 : i32
    %scan3A_6 = arith.constant 632 : i32
    %scan3A_7 = arith.addi %scan3A, %scan3A_6 : i32
    %scan3A_8 = arith.constant 1 : i32
    scf.for %scan3A_15 = %scan3A to %scan3A_7 step %scan3A_8  : i32 {
      %mul3A_16 = arith.constant 16 : i32
      %mul3A_17 = arith.muli %scan3A_15, %mul3A_16 : i32
      %add3A_18 = arith.constant 0 : i32
      %add3A_19 = arith.addi %add3A_18, %mul3A_17 : i32
      %swap3A = arith.index_cast %add3A_19 : i32 to index
      %swap3A_20 = tpu.vector_load %arg5[%swap3A] {strides = array<i32>} : memref<10112xf32, #tpu.memory_space<vmem>>, vector<16xf32>,
      tpu.vector_store %arg5[%swap3A], %broadcast_in_dim3A_1 {strides = array<i32>} : memref<10112xf32, #tpu.memory_space<vmem>>, vector<16xf32>,
    }
    %scan3A_9 = arith.constant 632 : i32
    %scan3A_10 = arith.constant 0 : i32
    %scan3A_11 = arith.constant 80 : i32
    %scan3A_12 = arith.addi %scan3A_10, %scan3A_11 : i32
    %scan3A_13 = arith.constant 1 : i32
    scf.for %scan3A_15 = %scan3A_10 to %scan3A_12 step %scan3A_13  : i32 {
      %mul3A_16 = arith.constant 1 : i32
      %mul3A_17 = arith.muli %scan3A_15, %mul3A_16 : i32
      %add3A_18 = arith.constant 0 : i32
      %add3A_19 = arith.addi %add3A_18, %mul3A_17 : i32
      %scan3A_20 = arith.constant 0 : i32
      %scan3A_21 = arith.constant 8 : i32
      %scan3A_22 = arith.addi %scan3A_20, %scan3A_21 : i32
      %scan3A_23 = arith.constant 1 : i32
      scf.for %scan3A_25 = %scan3A_20 to %scan3A_22 step %scan3A_23  : i32 {
        %mul3A_26 = arith.constant 16 : i32
        %mul3A_27 = arith.muli %scan3A_25, %mul3A_26 : i32
        %add3A_28 = arith.constant 0 : i32
        %add3A_29 = arith.addi %add3A_28, %mul3A_27 : i32
        %get3A = arith.index_cast %add3A_19 : i32 to index
        %get3A_30 = arith.index_cast %add3A_29 : i32 to index
        %get3A_31 = tpu.vector_load %arg4[%get3A, %get3A_30] {strides = array<i32>} : memref<80x128xi32, #tpu.memory_space<vmem>>, vector<16xi32>,
        tpu.vector_store_idx %arg5[%get3A_31], %broadcast_in_dim3A_3 {add = true} : memref<10112xf32, #tpu.memory_space<vmem>>[vector<16xi32>], vector<16xf32>,
      }
      %scan3A_24 = arith.constant 8 : i32
    }
    %scan3A_14 = arith.constant 80 : i32
    "tpu.region"() ({
      %run_scoped3A = tpu.sem_alloc : memref<!tpu.dma_semaphore, #tpu.memory_space<semaphore_mem>>
      %dma_start3A = arith.constant 0 : i32
      %dma_start3A_15 = arith.constant 0 : i32
      %dma_start3A_16 = tpu.memref_slice %arg3[%arg0, %dma_start3A, %dma_start3A_15] : memref<2x16x10112xf32, #tpu.memory_space<hbm>> -> memref<1x16x10112xf32, #tpu.memory_space<hbm>>
      %dma_start3A_17 = tpu.memref_squeeze %dma_start3A_16 : memref<1x16x10112xf32, #tpu.memory_space<hbm>> -> memref<16x10112xf32, #tpu.memory_space<hbm>>
      %dma_start3A_18 = arith.constant 0 : i32
      %dma_start3A_19 = tpu.memref_slice %dma_start3A_17[%arg1, %dma_start3A_18] : memref<16x10112xf32, #tpu.memory_space<hbm>> -> memref<1x10112xf32, #tpu.memory_space<hbm>>
      %dma_start3A_20 = tpu.memref_squeeze %dma_start3A_19 : memref<1x10112xf32, #tpu.memory_space<hbm>> -> memref<10112xf32, #tpu.memory_space<hbm>>
      %dma_start3A_21 = arith.constant 0 : i32
      %dma_start3A_22 = arith.constant 0 : i32
      %dma_start3A_23 = tpu.memref_slice %arg3[%arg0, %dma_start3A_21, %dma_start3A_22] : memref<2x16x10112xf32, #tpu.memory_space<hbm>> -> memref<1x16x10112xf32, #tpu.memory_space<hbm>>
      %dma_start3A_24 = tpu.memref_squeeze %dma_start3A_23 : memref<1x16x10112xf32, #tpu.memory_space<hbm>> -> memref<16x10112xf32, #tpu.memory_space<hbm>>
      %dma_start3A_25 = arith.constant 0 : i32
      %dma_start3A_26 = tpu.memref_slice %dma_start3A_24[%arg1, %dma_start3A_25] : memref<16x10112xf32, #tpu.memory_space<hbm>> -> memref<1x10112xf32, #tpu.memory_space<hbm>>
      %dma_start3A_27 = tpu.memref_squeeze %dma_start3A_26 : memref<1x10112xf32, #tpu.memory_space<hbm>> -> memref<10112xf32, #tpu.memory_space<hbm>>
      tpu.enqueue_dma source(%arg5 : memref<10112xf32, #tpu.memory_space<vmem>>) target(%dma_start3A_27 : memref<10112xf32, #tpu.memory_space<hbm>>) target_semaphore(%run_scoped3A : memref<!tpu.dma_semaphore, #tpu.memory_space<semaphore_mem>>)
      %dma_wait3A = arith.constant 0 : i32
      %dma_wait3A_28 = arith.constant 0 : i32
      %dma_wait3A_29 = tpu.memref_slice %arg3[%arg0, %dma_wait3A, %dma_wait3A_28] : memref<2x16x10112xf32, #tpu.memory_space<hbm>> -> memref<1x16x10112xf32, #tpu.memory_space<hbm>>
      %dma_wait3A_30 = tpu.memref_squeeze %dma_wait3A_29 : memref<1x16x10112xf32, #tpu.memory_space<hbm>> -> memref<16x10112xf32, #tpu.memory_space<hbm>>
      %dma_wait3A_31 = arith.constant 0 : i32
      %dma_wait3A_32 = tpu.memref_slice %dma_wait3A_30[%arg1, %dma_wait3A_31] : memref<16x10112xf32, #tpu.memory_space<hbm>> -> memref<1x10112xf32, #tpu.memory_space<hbm>>
      %dma_wait3A_33 = tpu.memref_squeeze %dma_wait3A_32 : memref<1x10112xf32, #tpu.memory_space<hbm>> -> memref<10112xf32, #tpu.memory_space<hbm>>
      %dma_wait3A_34 = arith.constant 0 : i32
      %dma_wait3A_35 = arith.constant 0 : i32
      %dma_wait3A_36 = tpu.memref_slice %arg3[%arg0, %dma_wait3A_34, %dma_wait3A_35] : memref<2x16x10112xf32, #tpu.memory_space<hbm>> -> memref<1x16x10112xf32, #tpu.memory_space<hbm>>
      %dma_wait3A_37 = tpu.memref_squeeze %dma_wait3A_36 : memref<1x16x10112xf32, #tpu.memory_space<hbm>> -> memref<16x10112xf32, #tpu.memory_space<hbm>>
      %dma_wait3A_38 = arith.constant 0 : i32
      %dma_wait3A_39 = tpu.memref_slice %dma_wait3A_37[%arg1, %dma_wait3A_38] : memref<16x10112xf32, #tpu.memory_space<hbm>> -> memref<1x10112xf32, #tpu.memory_space<hbm>>
      %dma_wait3A_40 = tpu.memref_squeeze %dma_wait3A_39 : memref<1x10112xf32, #tpu.memory_space<hbm>> -> memref<10112xf32, #tpu.memory_space<hbm>>
      tpu.wait_dma2 semaphore(%run_scoped3A : memref<!tpu.dma_semaphore, #tpu.memory_space<semaphore_mem>>) src(%arg5 : memref<10112xf32, #tpu.memory_space<vmem>>) dst(%dma_wait3A_40 : memref<10112xf32, #tpu.memory_space<hbm>>)
      tpu.yield
    }) : () -> ()
    return
  }
}

#map = affine_map<(d0, d1) -> (0, 0)>
#map1 = affine_map<(d0, d1) -> (0)>
#map2 = affine_map<(d0, d1) -> (0, 0, 0)>
module attributes {stable_mosaic.version = 14 : i64} {
  func.func @agg_kernel(%arg0: i32, %arg1: i32, %arg2: memref<10000x128xf32, #tpu.memory_space<hbm>>, %arg3: memref<320000xi32, #tpu.memory_space<hbm>>, %arg4: memref<320000xi32, #tpu.memory_space<hbm>>, %arg5: memref<10112x128xf32, #tpu.memory_space<hbm>>, %arg6: memref<2x10112x128xf32, #tpu.memory_space<hbm>>, %arg7: memref<128xi32, #tpu.memory_space<vmem>>, %arg8: memref<128xi32, #tpu.memory_space<vmem>>, %arg9: memref<128x128xf32, #tpu.memory_space<vmem>>, %arg10: memref<10112x128xf32, #tpu.memory_space<vmem_shared>>) attributes {dimension_semantics = [#tpu.dimension_semantics<core_parallel>, #tpu.dimension_semantics<subcore_parallel>], iteration_bounds = array<i64: 2, 16>, scalar_prefetch = 0 : i64, scratch_operands = 4 : i64, tpu.core_type = #tpu.core_type<sc_vector_subcore>, window_params = [{transform_indices = #map}, {transform_indices = #map1}, {transform_indices = #map1}, {transform_indices = #map}, {transform_indices = #map2}]} {
    %mul3A = arith.constant 2 : i32
    %mul3A_0 = arith.muli %arg1, %mul3A : i32
    %add3A = arith.addi %mul3A_0, %arg0 : i32
    %mul3A_1 = arith.constant 632 : i32
    %mul3A_2 = arith.muli %arg1, %mul3A_1 : i32
    %mul3A_3 = arith.constant 632 : i32
    %mul3A_4 = arith.muli %arg1, %mul3A_3 : i32
    "tpu.region"() ({
      %run_scoped3A = tpu.sem_alloc : memref<!tpu.dma_semaphore, #tpu.memory_space<semaphore_mem>>
      %dma_start3A = arith.constant 0 : i32
      %dma_start3A_25 = tpu.memref_slice %arg10[%mul3A_4, %dma_start3A] : memref<10112x128xf32, #tpu.memory_space<vmem_shared>> -> memref<632x128xf32, #tpu.memory_space<vmem_shared>>
      %dma_start3A_26 = arith.constant 0 : i32
      %dma_start3A_27 = tpu.memref_slice %arg5[%mul3A_2, %dma_start3A_26] : memref<10112x128xf32, #tpu.memory_space<hbm>> -> memref<632x128xf32, #tpu.memory_space<hbm>>
      tpu.enqueue_dma source(%dma_start3A_27 : memref<632x128xf32, #tpu.memory_space<hbm>>) target(%dma_start3A_25 : memref<632x128xf32, #tpu.memory_space<vmem_shared>>) target_semaphore(%run_scoped3A : memref<!tpu.dma_semaphore, #tpu.memory_space<semaphore_mem>>)
      %dma_wait3A = arith.constant 0 : i32
      %dma_wait3A_28 = tpu.memref_slice %arg10[%mul3A_4, %dma_wait3A] : memref<10112x128xf32, #tpu.memory_space<vmem_shared>> -> memref<632x128xf32, #tpu.memory_space<vmem_shared>>
      %dma_wait3A_29 = arith.constant 0 : i32
      %dma_wait3A_30 = tpu.memref_slice %arg5[%mul3A_2, %dma_wait3A_29] : memref<10112x128xf32, #tpu.memory_space<hbm>> -> memref<632x128xf32, #tpu.memory_space<hbm>>
      tpu.wait_dma2 semaphore(%run_scoped3A : memref<!tpu.dma_semaphore, #tpu.memory_space<semaphore_mem>>) src(%dma_wait3A_30 : memref<632x128xf32, #tpu.memory_space<hbm>>) dst(%dma_wait3A_28 : memref<632x128xf32, #tpu.memory_space<vmem_shared>>)
      tpu.yield
    }) : () -> ()
    %barrier3A = arith.constant 0 : index
    tpu.barrier barrier_id(%barrier3A)
    %sub3A = arith.constant 2500 : i32
    %sub3A_5 = arith.subi %sub3A, %add3A : i32
    %sub3A_6 = arith.constant 32 : i32
    %sub3A_7 = arith.constant 1 : i32
    %sub3A_8 = arith.subi %sub3A_6, %sub3A_7 : i32
    %add3A_9 = arith.addi %sub3A_5, %sub3A_8 : i32
    %div3A = arith.constant 32 : i32
    %div3A_10 = arith.divsi %add3A_9, %div3A : i32
    %while3A = arith.constant 32 : i32
    %while3A_11 = arith.constant 0 : i32
    %while3A_12 = arith.subi %div3A_10, %while3A_11 : i32
    %while3A_13 = arith.addi %while3A_11, %while3A_12 : i32
    %while3A_14 = arith.constant 1 : i32
    %while3A_15 = arith.divsi %while3A_12, %while3A_14 : i32
    %while3A_16 = arith.muli %while3A_15, %while3A_14 : i32
    %while3A_17 = arith.addi %while3A_11, %while3A_16 : i32
    %while3A_18 = arith.constant 1 : i32
    scf.for %while3A_25 = %while3A_11 to %while3A_17 step %while3A_18  : i32 {
      %mul3A_26 = arith.muli %while3A_25, %while3A : i32
      %add3A_27 = arith.addi %add3A, %mul3A_26 : i32
      %mul3A_28 = arith.constant 128 : i32
      %mul3A_29 = arith.muli %add3A_27, %mul3A_28 : i32
      "tpu.region"() ({
        %run_scoped3A = tpu.sem_alloc : memref<!tpu.dma_semaphore, #tpu.memory_space<semaphore_mem>>
        %dma_start3A = tpu.memref_slice %arg3[%mul3A_29] : memref<320000xi32, #tpu.memory_space<hbm>> -> memref<128xi32, #tpu.memory_space<hbm>>
        %dma_start3A_32 = tpu.memref_slice %arg3[%mul3A_29] : memref<320000xi32, #tpu.memory_space<hbm>> -> memref<128xi32, #tpu.memory_space<hbm>>
        tpu.enqueue_dma source(%dma_start3A_32 : memref<128xi32, #tpu.memory_space<hbm>>) target(%arg7 : memref<128xi32, #tpu.memory_space<vmem>>) target_semaphore(%run_scoped3A : memref<!tpu.dma_semaphore, #tpu.memory_space<semaphore_mem>>)
        %dma_wait3A = tpu.memref_slice %arg3[%mul3A_29] : memref<320000xi32, #tpu.memory_space<hbm>> -> memref<128xi32, #tpu.memory_space<hbm>>
        %dma_wait3A_33 = tpu.memref_slice %arg3[%mul3A_29] : memref<320000xi32, #tpu.memory_space<hbm>> -> memref<128xi32, #tpu.memory_space<hbm>>
        tpu.wait_dma2 semaphore(%run_scoped3A : memref<!tpu.dma_semaphore, #tpu.memory_space<semaphore_mem>>) src(%dma_wait3A_33 : memref<128xi32, #tpu.memory_space<hbm>>) dst(%arg7 : memref<128xi32, #tpu.memory_space<vmem>>)
        tpu.yield
      }) : () -> ()
      %mul3A_30 = arith.constant 128 : i32
      %mul3A_31 = arith.muli %add3A_27, %mul3A_30 : i32
      "tpu.region"() ({
        %run_scoped3A = tpu.sem_alloc : memref<!tpu.dma_semaphore, #tpu.memory_space<semaphore_mem>>
        %dma_start3A = tpu.memref_slice %arg4[%mul3A_31] : memref<320000xi32, #tpu.memory_space<hbm>> -> memref<128xi32, #tpu.memory_space<hbm>>
        %dma_start3A_32 = tpu.memref_slice %arg4[%mul3A_31] : memref<320000xi32, #tpu.memory_space<hbm>> -> memref<128xi32, #tpu.memory_space<hbm>>
        tpu.enqueue_dma source(%dma_start3A_32 : memref<128xi32, #tpu.memory_space<hbm>>) target(%arg8 : memref<128xi32, #tpu.memory_space<vmem>>) target_semaphore(%run_scoped3A : memref<!tpu.dma_semaphore, #tpu.memory_space<semaphore_mem>>)
        %dma_wait3A = tpu.memref_slice %arg4[%mul3A_31] : memref<320000xi32, #tpu.memory_space<hbm>> -> memref<128xi32, #tpu.memory_space<hbm>>
        %dma_wait3A_33 = tpu.memref_slice %arg4[%mul3A_31] : memref<320000xi32, #tpu.memory_space<hbm>> -> memref<128xi32, #tpu.memory_space<hbm>>
        tpu.wait_dma2 semaphore(%run_scoped3A : memref<!tpu.dma_semaphore, #tpu.memory_space<semaphore_mem>>) src(%dma_wait3A_33 : memref<128xi32, #tpu.memory_space<hbm>>) dst(%arg8 : memref<128xi32, #tpu.memory_space<vmem>>)
        tpu.yield
      }) : () -> ()
      "tpu.region"() ({
        %run_scoped3A = tpu.sem_alloc : memref<!tpu.dma_semaphore, #tpu.memory_space<semaphore_mem>>
        %dma_start3A = arith.constant 0 : i32
        %dma_start3A_32 = arith.constant 0 : i32
        %dma_start3A_33 = tpu.memref_slice %arg2[%dma_start3A, %dma_start3A_32] : memref<10000x128xf32, #tpu.memory_space<hbm>> -> memref<10000x128xf32, #tpu.memory_space<hbm>>
        tpu.enqueue_indirect_dma source(%dma_start3A_33 : memref<10000x128xf32, #tpu.memory_space<hbm>>) target(%arg9 : memref<128x128xf32, #tpu.memory_space<vmem>>) offsets(%arg7 : memref<128xi32, #tpu.memory_space<vmem>>) semaphore(%run_scoped3A : memref<!tpu.dma_semaphore, #tpu.memory_space<semaphore_mem>>)
        %dma_wait3A = arith.constant 0 : i32
        %dma_wait3A_34 = arith.constant 0 : i32
        %dma_wait3A_35 = tpu.memref_slice %arg2[%dma_wait3A, %dma_wait3A_34] : memref<10000x128xf32, #tpu.memory_space<hbm>> -> memref<10000x128xf32, #tpu.memory_space<hbm>>
        tpu.wait_indirect_dma semaphore(%run_scoped3A : memref<!tpu.dma_semaphore, #tpu.memory_space<semaphore_mem>>) src(%dma_wait3A_35 : memref<10000x128xf32, #tpu.memory_space<hbm>>) dst(%arg9 : memref<128x128xf32, #tpu.memory_space<vmem>>)
        tpu.yield
      }) : () -> ()
      "tpu.region"() ({
        %run_scoped3A = tpu.sem_alloc : memref<!tpu.dma_semaphore, #tpu.memory_space<semaphore_mem>>
        %dma_start3A = arith.constant 0 : i32
        %dma_start3A_32 = arith.constant 0 : i32
        %dma_start3A_33 = tpu.memref_slice %arg10[%dma_start3A, %dma_start3A_32] : memref<10112x128xf32, #tpu.memory_space<vmem_shared>> -> memref<10112x128xf32, #tpu.memory_space<vmem_shared>>
        tpu.enqueue_indirect_dma source(%arg9 : memref<128x128xf32, #tpu.memory_space<vmem>>) target(%dma_start3A_33 : memref<10112x128xf32, #tpu.memory_space<vmem_shared>>) offsets(%arg8 : memref<128xi32, #tpu.memory_space<vmem>>) semaphore(%run_scoped3A : memref<!tpu.dma_semaphore, #tpu.memory_space<semaphore_mem>>) {add = true}
        %dma_wait3A = arith.constant 0 : i32
        %dma_wait3A_34 = arith.constant 0 : i32
        %dma_wait3A_35 = tpu.memref_slice %arg10[%dma_wait3A, %dma_wait3A_34] : memref<10112x128xf32, #tpu.memory_space<vmem_shared>> -> memref<10112x128xf32, #tpu.memory_space<vmem_shared>>
        tpu.wait_indirect_dma semaphore(%run_scoped3A : memref<!tpu.dma_semaphore, #tpu.memory_space<semaphore_mem>>) src(%arg9 : memref<128x128xf32, #tpu.memory_space<vmem>>) dst(%dma_wait3A_35 : memref<10112x128xf32, #tpu.memory_space<vmem_shared>>)
        tpu.yield
      }) : () -> ()
    }
    %while3A_19 = arith.constant 1 : i32
    scf.for %while3A_25 = %while3A_17 to %while3A_13 step %while3A_19  : i32 {
      %mul3A_26 = arith.muli %while3A_25, %while3A : i32
      %add3A_27 = arith.addi %add3A, %mul3A_26 : i32
      %mul3A_28 = arith.constant 128 : i32
      %mul3A_29 = arith.muli %add3A_27, %mul3A_28 : i32
      "tpu.region"() ({
        %run_scoped3A = tpu.sem_alloc : memref<!tpu.dma_semaphore, #tpu.memory_space<semaphore_mem>>
        %dma_start3A = tpu.memref_slice %arg3[%mul3A_29] : memref<320000xi32, #tpu.memory_space<hbm>> -> memref<128xi32, #tpu.memory_space<hbm>>
        %dma_start3A_32 = tpu.memref_slice %arg3[%mul3A_29] : memref<320000xi32, #tpu.memory_space<hbm>> -> memref<128xi32, #tpu.memory_space<hbm>>
        tpu.enqueue_dma source(%dma_start3A_32 : memref<128xi32, #tpu.memory_space<hbm>>) target(%arg7 : memref<128xi32, #tpu.memory_space<vmem>>) target_semaphore(%run_scoped3A : memref<!tpu.dma_semaphore, #tpu.memory_space<semaphore_mem>>)
        %dma_wait3A = tpu.memref_slice %arg3[%mul3A_29] : memref<320000xi32, #tpu.memory_space<hbm>> -> memref<128xi32, #tpu.memory_space<hbm>>
        %dma_wait3A_33 = tpu.memref_slice %arg3[%mul3A_29] : memref<320000xi32, #tpu.memory_space<hbm>> -> memref<128xi32, #tpu.memory_space<hbm>>
        tpu.wait_dma2 semaphore(%run_scoped3A : memref<!tpu.dma_semaphore, #tpu.memory_space<semaphore_mem>>) src(%dma_wait3A_33 : memref<128xi32, #tpu.memory_space<hbm>>) dst(%arg7 : memref<128xi32, #tpu.memory_space<vmem>>)
        tpu.yield
      }) : () -> ()
      %mul3A_30 = arith.constant 128 : i32
      %mul3A_31 = arith.muli %add3A_27, %mul3A_30 : i32
      "tpu.region"() ({
        %run_scoped3A = tpu.sem_alloc : memref<!tpu.dma_semaphore, #tpu.memory_space<semaphore_mem>>
        %dma_start3A = tpu.memref_slice %arg4[%mul3A_31] : memref<320000xi32, #tpu.memory_space<hbm>> -> memref<128xi32, #tpu.memory_space<hbm>>
        %dma_start3A_32 = tpu.memref_slice %arg4[%mul3A_31] : memref<320000xi32, #tpu.memory_space<hbm>> -> memref<128xi32, #tpu.memory_space<hbm>>
        tpu.enqueue_dma source(%dma_start3A_32 : memref<128xi32, #tpu.memory_space<hbm>>) target(%arg8 : memref<128xi32, #tpu.memory_space<vmem>>) target_semaphore(%run_scoped3A : memref<!tpu.dma_semaphore, #tpu.memory_space<semaphore_mem>>)
        %dma_wait3A = tpu.memref_slice %arg4[%mul3A_31] : memref<320000xi32, #tpu.memory_space<hbm>> -> memref<128xi32, #tpu.memory_space<hbm>>
        %dma_wait3A_33 = tpu.memref_slice %arg4[%mul3A_31] : memref<320000xi32, #tpu.memory_space<hbm>> -> memref<128xi32, #tpu.memory_space<hbm>>
        tpu.wait_dma2 semaphore(%run_scoped3A : memref<!tpu.dma_semaphore, #tpu.memory_space<semaphore_mem>>) src(%dma_wait3A_33 : memref<128xi32, #tpu.memory_space<hbm>>) dst(%arg8 : memref<128xi32, #tpu.memory_space<vmem>>)
        tpu.yield
      }) : () -> ()
      "tpu.region"() ({
        %run_scoped3A = tpu.sem_alloc : memref<!tpu.dma_semaphore, #tpu.memory_space<semaphore_mem>>
        %dma_start3A = arith.constant 0 : i32
        %dma_start3A_32 = arith.constant 0 : i32
        %dma_start3A_33 = tpu.memref_slice %arg2[%dma_start3A, %dma_start3A_32] : memref<10000x128xf32, #tpu.memory_space<hbm>> -> memref<10000x128xf32, #tpu.memory_space<hbm>>
        tpu.enqueue_indirect_dma source(%dma_start3A_33 : memref<10000x128xf32, #tpu.memory_space<hbm>>) target(%arg9 : memref<128x128xf32, #tpu.memory_space<vmem>>) offsets(%arg7 : memref<128xi32, #tpu.memory_space<vmem>>) semaphore(%run_scoped3A : memref<!tpu.dma_semaphore, #tpu.memory_space<semaphore_mem>>)
        %dma_wait3A = arith.constant 0 : i32
        %dma_wait3A_34 = arith.constant 0 : i32
        %dma_wait3A_35 = tpu.memref_slice %arg2[%dma_wait3A, %dma_wait3A_34] : memref<10000x128xf32, #tpu.memory_space<hbm>> -> memref<10000x128xf32, #tpu.memory_space<hbm>>
        tpu.wait_indirect_dma semaphore(%run_scoped3A : memref<!tpu.dma_semaphore, #tpu.memory_space<semaphore_mem>>) src(%dma_wait3A_35 : memref<10000x128xf32, #tpu.memory_space<hbm>>) dst(%arg9 : memref<128x128xf32, #tpu.memory_space<vmem>>)
        tpu.yield
      }) : () -> ()
      "tpu.region"() ({
        %run_scoped3A = tpu.sem_alloc : memref<!tpu.dma_semaphore, #tpu.memory_space<semaphore_mem>>
        %dma_start3A = arith.constant 0 : i32
        %dma_start3A_32 = arith.constant 0 : i32
        %dma_start3A_33 = tpu.memref_slice %arg10[%dma_start3A, %dma_start3A_32] : memref<10112x128xf32, #tpu.memory_space<vmem_shared>> -> memref<10112x128xf32, #tpu.memory_space<vmem_shared>>
        tpu.enqueue_indirect_dma source(%arg9 : memref<128x128xf32, #tpu.memory_space<vmem>>) target(%dma_start3A_33 : memref<10112x128xf32, #tpu.memory_space<vmem_shared>>) offsets(%arg8 : memref<128xi32, #tpu.memory_space<vmem>>) semaphore(%run_scoped3A : memref<!tpu.dma_semaphore, #tpu.memory_space<semaphore_mem>>) {add = true}
        %dma_wait3A = arith.constant 0 : i32
        %dma_wait3A_34 = arith.constant 0 : i32
        %dma_wait3A_35 = tpu.memref_slice %arg10[%dma_wait3A, %dma_wait3A_34] : memref<10112x128xf32, #tpu.memory_space<vmem_shared>> -> memref<10112x128xf32, #tpu.memory_space<vmem_shared>>
        tpu.wait_indirect_dma semaphore(%run_scoped3A : memref<!tpu.dma_semaphore, #tpu.memory_space<semaphore_mem>>) src(%arg9 : memref<128x128xf32, #tpu.memory_space<vmem>>) dst(%dma_wait3A_35 : memref<10112x128xf32, #tpu.memory_space<vmem_shared>>)
        tpu.yield
      }) : () -> ()
    }
    %barrier3A_20 = arith.constant 0 : index
    tpu.barrier barrier_id(%barrier3A_20)
    %mul3A_21 = arith.constant 632 : i32
    %mul3A_22 = arith.muli %arg1, %mul3A_21 : i32
    %mul3A_23 = arith.constant 632 : i32
    %mul3A_24 = arith.muli %arg1, %mul3A_23 : i32
    "tpu.region"() ({
      %run_scoped3A = tpu.sem_alloc : memref<!tpu.dma_semaphore, #tpu.memory_space<semaphore_mem>>
      %dma_start3A = arith.constant 0 : i32
      %dma_start3A_25 = arith.constant 0 : i32
      %dma_start3A_26 = tpu.memref_slice %arg6[%arg0, %dma_start3A, %dma_start3A_25] : memref<2x10112x128xf32, #tpu.memory_space<hbm>> -> memref<1x10112x128xf32, #tpu.memory_space<hbm>>
      %dma_start3A_27 = tpu.memref_squeeze %dma_start3A_26 : memref<1x10112x128xf32, #tpu.memory_space<hbm>> -> memref<10112x128xf32, #tpu.memory_space<hbm>>
      %dma_start3A_28 = arith.constant 0 : i32
      %dma_start3A_29 = tpu.memref_slice %dma_start3A_27[%mul3A_24, %dma_start3A_28] : memref<10112x128xf32, #tpu.memory_space<hbm>> -> memref<632x128xf32, #tpu.memory_space<hbm>>
      %dma_start3A_30 = arith.constant 0 : i32
      %dma_start3A_31 = tpu.memref_slice %arg10[%mul3A_22, %dma_start3A_30] : memref<10112x128xf32, #tpu.memory_space<vmem_shared>> -> memref<632x128xf32, #tpu.memory_space<vmem_shared>>
      tpu.enqueue_dma source(%dma_start3A_31 : memref<632x128xf32, #tpu.memory_space<vmem_shared>>) target(%dma_start3A_29 : memref<632x128xf32, #tpu.memory_space<hbm>>) target_semaphore(%run_scoped3A : memref<!tpu.dma_semaphore, #tpu.memory_space<semaphore_mem>>)
      %dma_wait3A = arith.constant 0 : i32
      %dma_wait3A_32 = arith.constant 0 : i32
      %dma_wait3A_33 = tpu.memref_slice %arg6[%arg0, %dma_wait3A, %dma_wait3A_32] : memref<2x10112x128xf32, #tpu.memory_space<hbm>> -> memref<1x10112x128xf32, #tpu.memory_space<hbm>>
      %dma_wait3A_34 = tpu.memref_squeeze %dma_wait3A_33 : memref<1x10112x128xf32, #tpu.memory_space<hbm>> -> memref<10112x128xf32, #tpu.memory_space<hbm>>
      %dma_wait3A_35 = arith.constant 0 : i32
      %dma_wait3A_36 = tpu.memref_slice %dma_wait3A_34[%mul3A_24, %dma_wait3A_35] : memref<10112x128xf32, #tpu.memory_space<hbm>> -> memref<632x128xf32, #tpu.memory_space<hbm>>
      %dma_wait3A_37 = arith.constant 0 : i32
      %dma_wait3A_38 = tpu.memref_slice %arg10[%mul3A_22, %dma_wait3A_37] : memref<10112x128xf32, #tpu.memory_space<vmem_shared>> -> memref<632x128xf32, #tpu.memory_space<vmem_shared>>
      tpu.wait_dma2 semaphore(%run_scoped3A : memref<!tpu.dma_semaphore, #tpu.memory_space<semaphore_mem>>) src(%dma_wait3A_38 : memref<632x128xf32, #tpu.memory_space<vmem_shared>>) dst(%dma_wait3A_36 : memref<632x128xf32, #tpu.memory_space<hbm>>)
      tpu.yield
    }) : () -> ()
    return
  }
}

#map = affine_map<(d0, d1) -> (0, 0)>
#map1 = affine_map<(d0, d1) -> (0)>
#map2 = affine_map<(d0, d1) -> (0, 0, 0)>
module attributes {stable_mosaic.version = 14 : i64} {
  func.func @agg_kernel(%arg0: i32, %arg1: i32, %arg2: memref<10000x128xf32, #tpu.memory_space<hbm>>, %arg3: memref<320000xi32, #tpu.memory_space<hbm>>, %arg4: memref<320000xi32, #tpu.memory_space<hbm>>, %arg5: memref<10112x128xf32, #tpu.memory_space<hbm>>, %arg6: memref<2x10112x128xf32, #tpu.memory_space<hbm>>, %arg7: memref<128xi32, #tpu.memory_space<vmem>>, %arg8: memref<128xi32, #tpu.memory_space<vmem>>, %arg9: memref<128x128xf32, #tpu.memory_space<vmem>>, %arg10: memref<10112x128xf32, #tpu.memory_space<vmem_shared>>) attributes {dimension_semantics = [#tpu.dimension_semantics<core_parallel>, #tpu.dimension_semantics<subcore_parallel>], iteration_bounds = array<i64: 2, 16>, scalar_prefetch = 0 : i64, scratch_operands = 4 : i64, tpu.core_type = #tpu.core_type<sc_vector_subcore>, window_params = [{transform_indices = #map}, {transform_indices = #map1}, {transform_indices = #map1}, {transform_indices = #map}, {transform_indices = #map2}]} {
    %mul3A = arith.constant 2 : i32
    %mul3A_0 = arith.muli %arg1, %mul3A : i32
    %add3A = arith.addi %mul3A_0, %arg0 : i32
    %mul3A_1 = arith.constant 632 : i32
    %mul3A_2 = arith.muli %arg1, %mul3A_1 : i32
    %mul3A_3 = arith.constant 632 : i32
    %mul3A_4 = arith.muli %arg1, %mul3A_3 : i32
    "tpu.region"() ({
      %run_scoped3A = tpu.sem_alloc : memref<!tpu.dma_semaphore, #tpu.memory_space<semaphore_mem>>
      %dma_start3A = arith.constant 0 : i32
      %dma_start3A_25 = tpu.memref_slice %arg10[%mul3A_4, %dma_start3A] : memref<10112x128xf32, #tpu.memory_space<vmem_shared>> -> memref<632x128xf32, #tpu.memory_space<vmem_shared>>
      %dma_start3A_26 = arith.constant 0 : i32
      %dma_start3A_27 = tpu.memref_slice %arg5[%mul3A_2, %dma_start3A_26] : memref<10112x128xf32, #tpu.memory_space<hbm>> -> memref<632x128xf32, #tpu.memory_space<hbm>>
      tpu.enqueue_dma source(%dma_start3A_27 : memref<632x128xf32, #tpu.memory_space<hbm>>) target(%dma_start3A_25 : memref<632x128xf32, #tpu.memory_space<vmem_shared>>) target_semaphore(%run_scoped3A : memref<!tpu.dma_semaphore, #tpu.memory_space<semaphore_mem>>)
      %dma_wait3A = arith.constant 0 : i32
      %dma_wait3A_28 = tpu.memref_slice %arg10[%mul3A_4, %dma_wait3A] : memref<10112x128xf32, #tpu.memory_space<vmem_shared>> -> memref<632x128xf32, #tpu.memory_space<vmem_shared>>
      %dma_wait3A_29 = arith.constant 0 : i32
      %dma_wait3A_30 = tpu.memref_slice %arg5[%mul3A_2, %dma_wait3A_29] : memref<10112x128xf32, #tpu.memory_space<hbm>> -> memref<632x128xf32, #tpu.memory_space<hbm>>
      tpu.wait_dma2 semaphore(%run_scoped3A : memref<!tpu.dma_semaphore, #tpu.memory_space<semaphore_mem>>) src(%dma_wait3A_30 : memref<632x128xf32, #tpu.memory_space<hbm>>) dst(%dma_wait3A_28 : memref<632x128xf32, #tpu.memory_space<vmem_shared>>)
      tpu.yield
    }) : () -> ()
    %barrier3A = arith.constant 0 : index
    tpu.barrier barrier_id(%barrier3A)
    %sub3A = arith.constant 2500 : i32
    %sub3A_5 = arith.subi %sub3A, %add3A : i32
    %sub3A_6 = arith.constant 32 : i32
    %sub3A_7 = arith.constant 1 : i32
    %sub3A_8 = arith.subi %sub3A_6, %sub3A_7 : i32
    %add3A_9 = arith.addi %sub3A_5, %sub3A_8 : i32
    %div3A = arith.constant 32 : i32
    %div3A_10 = arith.divsi %add3A_9, %div3A : i32
    %while3A = arith.constant 32 : i32
    %while3A_11 = arith.constant 0 : i32
    %while3A_12 = arith.subi %div3A_10, %while3A_11 : i32
    %while3A_13 = arith.addi %while3A_11, %while3A_12 : i32
    %while3A_14 = arith.constant 1 : i32
    %while3A_15 = arith.divsi %while3A_12, %while3A_14 : i32
    %while3A_16 = arith.muli %while3A_15, %while3A_14 : i32
    %while3A_17 = arith.addi %while3A_11, %while3A_16 : i32
    %while3A_18 = arith.constant 1 : i32
    scf.for %while3A_25 = %while3A_11 to %while3A_17 step %while3A_18  : i32 {
      %mul3A_26 = arith.muli %while3A_25, %while3A : i32
      %add3A_27 = arith.addi %add3A, %mul3A_26 : i32
      %mul3A_28 = arith.constant 128 : i32
      %mul3A_29 = arith.muli %add3A_27, %mul3A_28 : i32
      "tpu.region"() ({
        %run_scoped3A = tpu.sem_alloc : memref<!tpu.dma_semaphore, #tpu.memory_space<semaphore_mem>>
        %dma_start3A = tpu.memref_slice %arg3[%mul3A_29] : memref<320000xi32, #tpu.memory_space<hbm>> -> memref<128xi32, #tpu.memory_space<hbm>>
        %dma_start3A_32 = tpu.memref_slice %arg3[%mul3A_29] : memref<320000xi32, #tpu.memory_space<hbm>> -> memref<128xi32, #tpu.memory_space<hbm>>
        tpu.enqueue_dma source(%dma_start3A_32 : memref<128xi32, #tpu.memory_space<hbm>>) target(%arg7 : memref<128xi32, #tpu.memory_space<vmem>>) target_semaphore(%run_scoped3A : memref<!tpu.dma_semaphore, #tpu.memory_space<semaphore_mem>>)
        %dma_wait3A = tpu.memref_slice %arg3[%mul3A_29] : memref<320000xi32, #tpu.memory_space<hbm>> -> memref<128xi32, #tpu.memory_space<hbm>>
        %dma_wait3A_33 = tpu.memref_slice %arg3[%mul3A_29] : memref<320000xi32, #tpu.memory_space<hbm>> -> memref<128xi32, #tpu.memory_space<hbm>>
        tpu.wait_dma2 semaphore(%run_scoped3A : memref<!tpu.dma_semaphore, #tpu.memory_space<semaphore_mem>>) src(%dma_wait3A_33 : memref<128xi32, #tpu.memory_space<hbm>>) dst(%arg7 : memref<128xi32, #tpu.memory_space<vmem>>)
        tpu.yield
      }) : () -> ()
      %mul3A_30 = arith.constant 128 : i32
      %mul3A_31 = arith.muli %add3A_27, %mul3A_30 : i32
      "tpu.region"() ({
        %run_scoped3A = tpu.sem_alloc : memref<!tpu.dma_semaphore, #tpu.memory_space<semaphore_mem>>
        %dma_start3A = tpu.memref_slice %arg4[%mul3A_31] : memref<320000xi32, #tpu.memory_space<hbm>> -> memref<128xi32, #tpu.memory_space<hbm>>
        %dma_start3A_32 = tpu.memref_slice %arg4[%mul3A_31] : memref<320000xi32, #tpu.memory_space<hbm>> -> memref<128xi32, #tpu.memory_space<hbm>>
        tpu.enqueue_dma source(%dma_start3A_32 : memref<128xi32, #tpu.memory_space<hbm>>) target(%arg8 : memref<128xi32, #tpu.memory_space<vmem>>) target_semaphore(%run_scoped3A : memref<!tpu.dma_semaphore, #tpu.memory_space<semaphore_mem>>)
        %dma_wait3A = tpu.memref_slice %arg4[%mul3A_31] : memref<320000xi32, #tpu.memory_space<hbm>> -> memref<128xi32, #tpu.memory_space<hbm>>
        %dma_wait3A_33 = tpu.memref_slice %arg4[%mul3A_31] : memref<320000xi32, #tpu.memory_space<hbm>> -> memref<128xi32, #tpu.memory_space<hbm>>
        tpu.wait_dma2 semaphore(%run_scoped3A : memref<!tpu.dma_semaphore, #tpu.memory_space<semaphore_mem>>) src(%dma_wait3A_33 : memref<128xi32, #tpu.memory_space<hbm>>) dst(%arg8 : memref<128xi32, #tpu.memory_space<vmem>>)
        tpu.yield
      }) : () -> ()
      "tpu.region"() ({
        %run_scoped3A = tpu.sem_alloc : memref<!tpu.dma_semaphore, #tpu.memory_space<semaphore_mem>>
        %dma_start3A = arith.constant 0 : i32
        %dma_start3A_32 = arith.constant 0 : i32
        %dma_start3A_33 = tpu.memref_slice %arg2[%dma_start3A, %dma_start3A_32] : memref<10000x128xf32, #tpu.memory_space<hbm>> -> memref<10000x128xf32, #tpu.memory_space<hbm>>
        tpu.enqueue_indirect_dma source(%dma_start3A_33 : memref<10000x128xf32, #tpu.memory_space<hbm>>) target(%arg9 : memref<128x128xf32, #tpu.memory_space<vmem>>) offsets(%arg7 : memref<128xi32, #tpu.memory_space<vmem>>) semaphore(%run_scoped3A : memref<!tpu.dma_semaphore, #tpu.memory_space<semaphore_mem>>)
        %dma_wait3A = arith.constant 0 : i32
        %dma_wait3A_34 = arith.constant 0 : i32
        %dma_wait3A_35 = tpu.memref_slice %arg2[%dma_wait3A, %dma_wait3A_34] : memref<10000x128xf32, #tpu.memory_space<hbm>> -> memref<10000x128xf32, #tpu.memory_space<hbm>>
        tpu.wait_indirect_dma semaphore(%run_scoped3A : memref<!tpu.dma_semaphore, #tpu.memory_space<semaphore_mem>>) src(%dma_wait3A_35 : memref<10000x128xf32, #tpu.memory_space<hbm>>) dst(%arg9 : memref<128x128xf32, #tpu.memory_space<vmem>>)
        tpu.yield
      }) : () -> ()
      "tpu.region"() ({
        %run_scoped3A = tpu.sem_alloc : memref<!tpu.dma_semaphore, #tpu.memory_space<semaphore_mem>>
        %dma_start3A = arith.constant 0 : i32
        %dma_start3A_32 = arith.constant 0 : i32
        %dma_start3A_33 = tpu.memref_slice %arg10[%dma_start3A, %dma_start3A_32] : memref<10112x128xf32, #tpu.memory_space<vmem_shared>> -> memref<10112x128xf32, #tpu.memory_space<vmem_shared>>
        tpu.enqueue_indirect_dma source(%arg9 : memref<128x128xf32, #tpu.memory_space<vmem>>) target(%dma_start3A_33 : memref<10112x128xf32, #tpu.memory_space<vmem_shared>>) offsets(%arg8 : memref<128xi32, #tpu.memory_space<vmem>>) semaphore(%run_scoped3A : memref<!tpu.dma_semaphore, #tpu.memory_space<semaphore_mem>>) {add = true}
        %dma_wait3A = arith.constant 0 : i32
        %dma_wait3A_34 = arith.constant 0 : i32
        %dma_wait3A_35 = tpu.memref_slice %arg10[%dma_wait3A, %dma_wait3A_34] : memref<10112x128xf32, #tpu.memory_space<vmem_shared>> -> memref<10112x128xf32, #tpu.memory_space<vmem_shared>>
        tpu.wait_indirect_dma semaphore(%run_scoped3A : memref<!tpu.dma_semaphore, #tpu.memory_space<semaphore_mem>>) src(%arg9 : memref<128x128xf32, #tpu.memory_space<vmem>>) dst(%dma_wait3A_35 : memref<10112x128xf32, #tpu.memory_space<vmem_shared>>)
        tpu.yield
      }) : () -> ()
    }
    %while3A_19 = arith.constant 1 : i32
    scf.for %while3A_25 = %while3A_17 to %while3A_13 step %while3A_19  : i32 {
      %mul3A_26 = arith.muli %while3A_25, %while3A : i32
      %add3A_27 = arith.addi %add3A, %mul3A_26 : i32
      %mul3A_28 = arith.constant 128 : i32
      %mul3A_29 = arith.muli %add3A_27, %mul3A_28 : i32
      "tpu.region"() ({
        %run_scoped3A = tpu.sem_alloc : memref<!tpu.dma_semaphore, #tpu.memory_space<semaphore_mem>>
        %dma_start3A = tpu.memref_slice %arg3[%mul3A_29] : memref<320000xi32, #tpu.memory_space<hbm>> -> memref<128xi32, #tpu.memory_space<hbm>>
        %dma_start3A_32 = tpu.memref_slice %arg3[%mul3A_29] : memref<320000xi32, #tpu.memory_space<hbm>> -> memref<128xi32, #tpu.memory_space<hbm>>
        tpu.enqueue_dma source(%dma_start3A_32 : memref<128xi32, #tpu.memory_space<hbm>>) target(%arg7 : memref<128xi32, #tpu.memory_space<vmem>>) target_semaphore(%run_scoped3A : memref<!tpu.dma_semaphore, #tpu.memory_space<semaphore_mem>>)
        %dma_wait3A = tpu.memref_slice %arg3[%mul3A_29] : memref<320000xi32, #tpu.memory_space<hbm>> -> memref<128xi32, #tpu.memory_space<hbm>>
        %dma_wait3A_33 = tpu.memref_slice %arg3[%mul3A_29] : memref<320000xi32, #tpu.memory_space<hbm>> -> memref<128xi32, #tpu.memory_space<hbm>>
        tpu.wait_dma2 semaphore(%run_scoped3A : memref<!tpu.dma_semaphore, #tpu.memory_space<semaphore_mem>>) src(%dma_wait3A_33 : memref<128xi32, #tpu.memory_space<hbm>>) dst(%arg7 : memref<128xi32, #tpu.memory_space<vmem>>)
        tpu.yield
      }) : () -> ()
      %mul3A_30 = arith.constant 128 : i32
      %mul3A_31 = arith.muli %add3A_27, %mul3A_30 : i32
      "tpu.region"() ({
        %run_scoped3A = tpu.sem_alloc : memref<!tpu.dma_semaphore, #tpu.memory_space<semaphore_mem>>
        %dma_start3A = tpu.memref_slice %arg4[%mul3A_31] : memref<320000xi32, #tpu.memory_space<hbm>> -> memref<128xi32, #tpu.memory_space<hbm>>
        %dma_start3A_32 = tpu.memref_slice %arg4[%mul3A_31] : memref<320000xi32, #tpu.memory_space<hbm>> -> memref<128xi32, #tpu.memory_space<hbm>>
        tpu.enqueue_dma source(%dma_start3A_32 : memref<128xi32, #tpu.memory_space<hbm>>) target(%arg8 : memref<128xi32, #tpu.memory_space<vmem>>) target_semaphore(%run_scoped3A : memref<!tpu.dma_semaphore, #tpu.memory_space<semaphore_mem>>)
        %dma_wait3A = tpu.memref_slice %arg4[%mul3A_31] : memref<320000xi32, #tpu.memory_space<hbm>> -> memref<128xi32, #tpu.memory_space<hbm>>
        %dma_wait3A_33 = tpu.memref_slice %arg4[%mul3A_31] : memref<320000xi32, #tpu.memory_space<hbm>> -> memref<128xi32, #tpu.memory_space<hbm>>
        tpu.wait_dma2 semaphore(%run_scoped3A : memref<!tpu.dma_semaphore, #tpu.memory_space<semaphore_mem>>) src(%dma_wait3A_33 : memref<128xi32, #tpu.memory_space<hbm>>) dst(%arg8 : memref<128xi32, #tpu.memory_space<vmem>>)
        tpu.yield
      }) : () -> ()
      "tpu.region"() ({
        %run_scoped3A = tpu.sem_alloc : memref<!tpu.dma_semaphore, #tpu.memory_space<semaphore_mem>>
        %dma_start3A = arith.constant 0 : i32
        %dma_start3A_32 = arith.constant 0 : i32
        %dma_start3A_33 = tpu.memref_slice %arg2[%dma_start3A, %dma_start3A_32] : memref<10000x128xf32, #tpu.memory_space<hbm>> -> memref<10000x128xf32, #tpu.memory_space<hbm>>
        tpu.enqueue_indirect_dma source(%dma_start3A_33 : memref<10000x128xf32, #tpu.memory_space<hbm>>) target(%arg9 : memref<128x128xf32, #tpu.memory_space<vmem>>) offsets(%arg7 : memref<128xi32, #tpu.memory_space<vmem>>) semaphore(%run_scoped3A : memref<!tpu.dma_semaphore, #tpu.memory_space<semaphore_mem>>)
        %dma_wait3A = arith.constant 0 : i32
        %dma_wait3A_34 = arith.constant 0 : i32
        %dma_wait3A_35 = tpu.memref_slice %arg2[%dma_wait3A, %dma_wait3A_34] : memref<10000x128xf32, #tpu.memory_space<hbm>> -> memref<10000x128xf32, #tpu.memory_space<hbm>>
        tpu.wait_indirect_dma semaphore(%run_scoped3A : memref<!tpu.dma_semaphore, #tpu.memory_space<semaphore_mem>>) src(%dma_wait3A_35 : memref<10000x128xf32, #tpu.memory_space<hbm>>) dst(%arg9 : memref<128x128xf32, #tpu.memory_space<vmem>>)
        tpu.yield
      }) : () -> ()
      "tpu.region"() ({
        %run_scoped3A = tpu.sem_alloc : memref<!tpu.dma_semaphore, #tpu.memory_space<semaphore_mem>>
        %dma_start3A = arith.constant 0 : i32
        %dma_start3A_32 = arith.constant 0 : i32
        %dma_start3A_33 = tpu.memref_slice %arg10[%dma_start3A, %dma_start3A_32] : memref<10112x128xf32, #tpu.memory_space<vmem_shared>> -> memref<10112x128xf32, #tpu.memory_space<vmem_shared>>
        tpu.enqueue_indirect_dma source(%arg9 : memref<128x128xf32, #tpu.memory_space<vmem>>) target(%dma_start3A_33 : memref<10112x128xf32, #tpu.memory_space<vmem_shared>>) offsets(%arg8 : memref<128xi32, #tpu.memory_space<vmem>>) semaphore(%run_scoped3A : memref<!tpu.dma_semaphore, #tpu.memory_space<semaphore_mem>>) {add = true}
        %dma_wait3A = arith.constant 0 : i32
        %dma_wait3A_34 = arith.constant 0 : i32
        %dma_wait3A_35 = tpu.memref_slice %arg10[%dma_wait3A, %dma_wait3A_34] : memref<10112x128xf32, #tpu.memory_space<vmem_shared>> -> memref<10112x128xf32, #tpu.memory_space<vmem_shared>>
        tpu.wait_indirect_dma semaphore(%run_scoped3A : memref<!tpu.dma_semaphore, #tpu.memory_space<semaphore_mem>>) src(%arg9 : memref<128x128xf32, #tpu.memory_space<vmem>>) dst(%dma_wait3A_35 : memref<10112x128xf32, #tpu.memory_space<vmem_shared>>)
        tpu.yield
      }) : () -> ()
    }
    %barrier3A_20 = arith.constant 0 : index
    tpu.barrier barrier_id(%barrier3A_20)
    %mul3A_21 = arith.constant 632 : i32
    %mul3A_22 = arith.muli %arg1, %mul3A_21 : i32
    %mul3A_23 = arith.constant 632 : i32
    %mul3A_24 = arith.muli %arg1, %mul3A_23 : i32
    "tpu.region"() ({
      %run_scoped3A = tpu.sem_alloc : memref<!tpu.dma_semaphore, #tpu.memory_space<semaphore_mem>>
      %dma_start3A = arith.constant 0 : i32
      %dma_start3A_25 = arith.constant 0 : i32
      %dma_start3A_26 = tpu.memref_slice %arg6[%arg0, %dma_start3A, %dma_start3A_25] : memref<2x10112x128xf32, #tpu.memory_space<hbm>> -> memref<1x10112x128xf32, #tpu.memory_space<hbm>>
      %dma_start3A_27 = tpu.memref_squeeze %dma_start3A_26 : memref<1x10112x128xf32, #tpu.memory_space<hbm>> -> memref<10112x128xf32, #tpu.memory_space<hbm>>
      %dma_start3A_28 = arith.constant 0 : i32
      %dma_start3A_29 = tpu.memref_slice %dma_start3A_27[%mul3A_24, %dma_start3A_28] : memref<10112x128xf32, #tpu.memory_space<hbm>> -> memref<632x128xf32, #tpu.memory_space<hbm>>
      %dma_start3A_30 = arith.constant 0 : i32
      %dma_start3A_31 = tpu.memref_slice %arg10[%mul3A_22, %dma_start3A_30] : memref<10112x128xf32, #tpu.memory_space<vmem_shared>> -> memref<632x128xf32, #tpu.memory_space<vmem_shared>>
      tpu.enqueue_dma source(%dma_start3A_31 : memref<632x128xf32, #tpu.memory_space<vmem_shared>>) target(%dma_start3A_29 : memref<632x128xf32, #tpu.memory_space<hbm>>) target_semaphore(%run_scoped3A : memref<!tpu.dma_semaphore, #tpu.memory_space<semaphore_mem>>)
      %dma_wait3A = arith.constant 0 : i32
      %dma_wait3A_32 = arith.constant 0 : i32
      %dma_wait3A_33 = tpu.memref_slice %arg6[%arg0, %dma_wait3A, %dma_wait3A_32] : memref<2x10112x128xf32, #tpu.memory_space<hbm>> -> memref<1x10112x128xf32, #tpu.memory_space<hbm>>
      %dma_wait3A_34 = tpu.memref_squeeze %dma_wait3A_33 : memref<1x10112x128xf32, #tpu.memory_space<hbm>> -> memref<10112x128xf32, #tpu.memory_space<hbm>>
      %dma_wait3A_35 = arith.constant 0 : i32
      %dma_wait3A_36 = tpu.memref_slice %dma_wait3A_34[%mul3A_24, %dma_wait3A_35] : memref<10112x128xf32, #tpu.memory_space<hbm>> -> memref<632x128xf32, #tpu.memory_space<hbm>>
      %dma_wait3A_37 = arith.constant 0 : i32
      %dma_wait3A_38 = tpu.memref_slice %arg10[%mul3A_22, %dma_wait3A_37] : memref<10112x128xf32, #tpu.memory_space<vmem_shared>> -> memref<632x128xf32, #tpu.memory_space<vmem_shared>>
      tpu.wait_dma2 semaphore(%run_scoped3A : memref<!tpu.dma_semaphore, #tpu.memory_space<semaphore_mem>>) src(%dma_wait3A_38 : memref<632x128xf32, #tpu.memory_space<vmem_shared>>) dst(%dma_wait3A_36 : memref<632x128xf32, #tpu.memory_space<hbm>>)
      tpu.yield
    }) : () -> ()
    return
  }
}

module attributes {stable_mosaic.version = 14 : i64} {
  func.func @_mm_body(%arg0: i32, %arg1: memref<1000x128xf32, #tpu.memory_space<vmem>>, %arg2: memref<128x128xf32, #tpu.memory_space<vmem>>, %arg3: memref<1000x128xf32, #tpu.memory_space<vmem>>) attributes {dimension_semantics = [#tpu.dimension_semantics<arbitrary>], iteration_bounds = array<i64: 10>, scalar_prefetch = 0 : i64, scratch_operands = 0 : i64, tpu.core_type = #tpu.core_type<tc>, window_params = [{transform_indices = @transform_0, window_bounds = array<i64: 1000, 128>}, {pipeline_mode = #tpu.pipeline_mode<synchronous>, transform_indices = @transform_1, window_bounds = array<i64: 128, 128>}, {transform_indices = @transform_2, window_bounds = array<i64: 1000, 128>}]} {
    %get3A = arith.constant 0 : index
    %get3A_0 = arith.constant 0 : index
    %get3A_1 = vector.load %arg1[%get3A, %get3A_0] : memref<1000x128xf32, #tpu.memory_space<vmem>>, vector<1000x128xf32>
    %get3A_2 = arith.constant 0 : index
    %get3A_3 = arith.constant 0 : index
    %get3A_4 = vector.load %arg2[%get3A_2, %get3A_3] : memref<128x128xf32, #tpu.memory_space<vmem>>, vector<128x128xf32>
    %dot_general3A = arith.constant dense<0.000000e+00> : vector<1000x128xf32>
    %dot_general3A_5 = tpu.matmul %get3A_1, %get3A_4, %dot_general3A {dimension_numbers = #tpu.dot_dimension_numbers<[1], [0], [0], [1], [0, 0, 1, 1], [], []>, transpose_lhs_hint = false} : vector<1000x128xf32>, vector<128x128xf32>, vector<1000x128xf32> -> vector<1000x128xf32>
    %swap3A = arith.constant 0 : index
    %swap3A_6 = arith.constant 0 : index
    %swap3A_7 = vector.load %arg3[%swap3A, %swap3A_6] : memref<1000x128xf32, #tpu.memory_space<vmem>>, vector<1000x128xf32>
    tpu.vector_store %arg3[%swap3A, %swap3A_6], %dot_general3A_5 {strides = array<i32>} : memref<1000x128xf32, #tpu.memory_space<vmem>>, vector<1000x128xf32>,
    return
  }
  func.func @transform_0(%arg0: i32) -> (i32, i32) {
    %c0_i32 = arith.constant 0 : i32
    %c0_i32_0 = arith.constant 0 : i32
    return %arg0, %c0_i32 : i32, i32
  }
  func.func @transform_1(%arg0: i32) -> (i32, i32) {
    %c0_i32 = arith.constant 0 : i32
    %c0_i32_0 = arith.constant 0 : i32
    %c0_i32_1 = arith.constant 0 : i32
    return %c0_i32, %c0_i32_0 : i32, i32
  }
  func.func @transform_2(%arg0: i32) -> (i32, i32) {
    %c0_i32 = arith.constant 0 : i32
    %c0_i32_0 = arith.constant 0 : i32
    return %arg0, %c0_i32 : i32, i32
  }
}

module attributes {stable_mosaic.version = 14 : i64} {
  func.func @_scale_body(%arg0: i32, %arg1: memref<1000x1xf32, #tpu.memory_space<vmem>>, %arg2: memref<1000x128xf32, #tpu.memory_space<vmem>>, %arg3: memref<1000x128xf32, #tpu.memory_space<vmem>>) attributes {dimension_semantics = [#tpu.dimension_semantics<arbitrary>], iteration_bounds = array<i64: 10>, scalar_prefetch = 0 : i64, scratch_operands = 0 : i64, tpu.core_type = #tpu.core_type<tc>, window_params = [{transform_indices = @transform_0, window_bounds = array<i64: 1000, 1>}, {transform_indices = @transform_1, window_bounds = array<i64: 1000, 128>}, {transform_indices = @transform_2, window_bounds = array<i64: 1000, 128>}]} {
    %get3A = arith.constant 0 : index
    %get3A_0 = arith.constant 0 : index
    %get3A_1 = vector.load %arg1[%get3A, %get3A_0] : memref<1000x1xf32, #tpu.memory_space<vmem>>, vector<1000x1xf32>
    %rsqrt3A = math.rsqrt %get3A_1 : vector<1000x1xf32>
    %get3A_2 = arith.constant 0 : index
    %get3A_3 = arith.constant 0 : index
    %get3A_4 = vector.load %arg2[%get3A_2, %get3A_3] : memref<1000x128xf32, #tpu.memory_space<vmem>>, vector<1000x128xf32>
    %mul3A = vector.broadcast %rsqrt3A : vector<1000x1xf32> to vector<1000x128xf32>
    %mul3A_5 = arith.mulf %get3A_4, %mul3A : vector<1000x128xf32>
    %swap3A = arith.constant 0 : index
    %swap3A_6 = arith.constant 0 : index
    %swap3A_7 = vector.load %arg3[%swap3A, %swap3A_6] : memref<1000x128xf32, #tpu.memory_space<vmem>>, vector<1000x128xf32>
    tpu.vector_store %arg3[%swap3A, %swap3A_6], %mul3A_5 {strides = array<i32>} : memref<1000x128xf32, #tpu.memory_space<vmem>>, vector<1000x128xf32>,
    return
  }
  func.func @transform_0(%arg0: i32) -> (i32, i32) {
    %c0_i32 = arith.constant 0 : i32
    %c0_i32_0 = arith.constant 0 : i32
    return %arg0, %c0_i32 : i32, i32
  }
  func.func @transform_1(%arg0: i32) -> (i32, i32) {
    %c0_i32 = arith.constant 0 : i32
    %c0_i32_0 = arith.constant 0 : i32
    return %arg0, %c0_i32 : i32, i32
  }
  func.func @transform_2(%arg0: i32) -> (i32, i32) {
    %c0_i32 = arith.constant 0 : i32
    %c0_i32_0 = arith.constant 0 : i32
    return %arg0, %c0_i32 : i32, i32
  }
}

module attributes {stable_mosaic.version = 14 : i64} {
  func.func @_layer_body(%arg0: i32, %arg1: memref<1000x1xf32, #tpu.memory_space<vmem>>, %arg2: memref<1000x128xf32, #tpu.memory_space<vmem>>, %arg3: memref<2x1000x128xf32, #tpu.memory_space<vmem>>, %arg4: memref<1x128xf32, #tpu.memory_space<vmem>>, %arg5: memref<128x128xf32, #tpu.memory_space<vmem>>, %arg6: memref<1000x128xf32, #tpu.memory_space<vmem>>) attributes {dimension_semantics = [#tpu.dimension_semantics<arbitrary>], iteration_bounds = array<i64: 10>, scalar_prefetch = 0 : i64, scratch_operands = 0 : i64, tpu.core_type = #tpu.core_type<tc>, window_params = [{transform_indices = @transform_0, window_bounds = array<i64: 1000, 1>}, {transform_indices = @transform_1, window_bounds = array<i64: 1000, 128>}, {transform_indices = @transform_2, window_bounds = array<i64: 2, 1000, 128>}, {pipeline_mode = #tpu.pipeline_mode<synchronous>, transform_indices = @transform_3, window_bounds = array<i64: 1, 128>}, {pipeline_mode = #tpu.pipeline_mode<synchronous>, transform_indices = @transform_4, window_bounds = array<i64: 128, 128>}, {transform_indices = @transform_5, window_bounds = array<i64: 1000, 128>}]} {
    %get3A = arith.constant 0 : index
    %get3A_0 = arith.constant 0 : index
    %get3A_1 = vector.load %arg1[%get3A, %get3A_0] : memref<1000x1xf32, #tpu.memory_space<vmem>>, vector<1000x1xf32>
    %rsqrt3A = math.rsqrt %get3A_1 : vector<1000x1xf32>
    %get3A_2 = arith.constant 0 : index
    %get3A_3 = arith.constant 0 : index
    %get3A_4 = vector.load %arg2[%get3A_2, %get3A_3] : memref<1000x128xf32, #tpu.memory_space<vmem>>, vector<1000x128xf32>
    %get3A_5 = arith.constant 0 : index
    %get3A_6 = arith.constant 0 : index
    %get3A_7 = arith.constant 0 : index
    %get3A_8 = vector.load %arg3[%get3A_5, %get3A_6, %get3A_7] : memref<2x1000x128xf32, #tpu.memory_space<vmem>>, vector<1x1000x128xf32>
    %get3A_9 = vector.shape_cast %get3A_8 : vector<1x1000x128xf32> to vector<1000x128xf32>
    %add3A = arith.addf %get3A_4, %get3A_9 : vector<1000x128xf32>
    %get3A_10 = arith.constant 1 : index
    %get3A_11 = arith.constant 0 : index
    %get3A_12 = arith.constant 0 : index
    %get3A_13 = vector.load %arg3[%get3A_10, %get3A_11, %get3A_12] : memref<2x1000x128xf32, #tpu.memory_space<vmem>>, vector<1x1000x128xf32>
    %get3A_14 = vector.shape_cast %get3A_13 : vector<1x1000x128xf32> to vector<1000x128xf32>
    %add3A_15 = arith.addf %add3A, %get3A_14 : vector<1000x128xf32>
    %mul3A = vector.broadcast %rsqrt3A : vector<1000x1xf32> to vector<1000x128xf32>
    %mul3A_16 = arith.mulf %add3A_15, %mul3A : vector<1000x128xf32>
    %get3A_17 = arith.constant 0 : index
    %get3A_18 = arith.constant 0 : index
    %get3A_19 = vector.load %arg4[%get3A_17, %get3A_18] : memref<1x128xf32, #tpu.memory_space<vmem>>, vector<1x128xf32>
    %add3A_20 = vector.broadcast %get3A_19 : vector<1x128xf32> to vector<1000x128xf32>
    %add3A_21 = arith.addf %mul3A_16, %add3A_20 : vector<1000x128xf32>
    %max3A = arith.constant 0.000000e+00 : f32
    %max3A_22 = vector.broadcast %max3A : f32 to vector<1000x128xf32>
    %max3A_23 = arith.maximumf %add3A_21, %max3A_22 : vector<1000x128xf32>
    %get3A_24 = arith.constant 0 : index
    %get3A_25 = arith.constant 0 : index
    %get3A_26 = vector.load %arg5[%get3A_24, %get3A_25] : memref<128x128xf32, #tpu.memory_space<vmem>>, vector<128x128xf32>
    %dot_general3A = arith.constant dense<0.000000e+00> : vector<1000x128xf32>
    %dot_general3A_27 = tpu.matmul %max3A_23, %get3A_26, %dot_general3A {dimension_numbers = #tpu.dot_dimension_numbers<[1], [0], [0], [1], [0, 0, 1, 1], [], []>, transpose_lhs_hint = false} : vector<1000x128xf32>, vector<128x128xf32>, vector<1000x128xf32> -> vector<1000x128xf32>
    %mul3A_28 = vector.broadcast %rsqrt3A : vector<1000x1xf32> to vector<1000x128xf32>
    %mul3A_29 = arith.mulf %dot_general3A_27, %mul3A_28 : vector<1000x128xf32>
    %swap3A = arith.constant 0 : index
    %swap3A_30 = arith.constant 0 : index
    %swap3A_31 = vector.load %arg6[%swap3A, %swap3A_30] : memref<1000x128xf32, #tpu.memory_space<vmem>>, vector<1000x128xf32>
    tpu.vector_store %arg6[%swap3A, %swap3A_30], %mul3A_29 {strides = array<i32>} : memref<1000x128xf32, #tpu.memory_space<vmem>>, vector<1000x128xf32>,
    return
  }
  func.func @transform_0(%arg0: i32) -> (i32, i32) {
    %c0_i32 = arith.constant 0 : i32
    %c0_i32_0 = arith.constant 0 : i32
    return %arg0, %c0_i32 : i32, i32
  }
  func.func @transform_1(%arg0: i32) -> (i32, i32) {
    %c0_i32 = arith.constant 0 : i32
    %c0_i32_0 = arith.constant 0 : i32
    return %arg0, %c0_i32 : i32, i32
  }
  func.func @transform_2(%arg0: i32) -> (i32, i32, i32) {
    %c0_i32 = arith.constant 0 : i32
    %c0_i32_0 = arith.constant 0 : i32
    %c0_i32_1 = arith.constant 0 : i32
    return %c0_i32, %arg0, %c0_i32_0 : i32, i32, i32
  }
  func.func @transform_3(%arg0: i32) -> (i32, i32) {
    %c0_i32 = arith.constant 0 : i32
    %c0_i32_0 = arith.constant 0 : i32
    %c0_i32_1 = arith.constant 0 : i32
    return %c0_i32, %c0_i32_0 : i32, i32
  }
  func.func @transform_4(%arg0: i32) -> (i32, i32) {
    %c0_i32 = arith.constant 0 : i32
    %c0_i32_0 = arith.constant 0 : i32
    %c0_i32_1 = arith.constant 0 : i32
    return %c0_i32, %c0_i32_0 : i32, i32
  }
  func.func @transform_5(%arg0: i32) -> (i32, i32) {
    %c0_i32 = arith.constant 0 : i32
    %c0_i32_0 = arith.constant 0 : i32
    return %arg0, %c0_i32 : i32, i32
  }
}

module attributes {stable_mosaic.version = 14 : i64} {
  func.func @_final_body(%arg0: i32, %arg1: memref<1000x1xf32, #tpu.memory_space<vmem>>, %arg2: memref<1000x128xf32, #tpu.memory_space<vmem>>, %arg3: memref<2x1000x128xf32, #tpu.memory_space<vmem>>, %arg4: memref<1x128xf32, #tpu.memory_space<vmem>>, %arg5: memref<1000x128xf32, #tpu.memory_space<vmem>>) attributes {dimension_semantics = [#tpu.dimension_semantics<arbitrary>], iteration_bounds = array<i64: 10>, scalar_prefetch = 0 : i64, scratch_operands = 0 : i64, tpu.core_type = #tpu.core_type<tc>, window_params = [{transform_indices = @transform_0, window_bounds = array<i64: 1000, 1>}, {transform_indices = @transform_1, window_bounds = array<i64: 1000, 128>}, {transform_indices = @transform_2, window_bounds = array<i64: 2, 1000, 128>}, {pipeline_mode = #tpu.pipeline_mode<synchronous>, transform_indices = @transform_3, window_bounds = array<i64: 1, 128>}, {transform_indices = @transform_4, window_bounds = array<i64: 1000, 128>}]} {
    %get3A = arith.constant 0 : index
    %get3A_0 = arith.constant 0 : index
    %get3A_1 = vector.load %arg1[%get3A, %get3A_0] : memref<1000x1xf32, #tpu.memory_space<vmem>>, vector<1000x1xf32>
    %rsqrt3A = math.rsqrt %get3A_1 : vector<1000x1xf32>
    %get3A_2 = arith.constant 0 : index
    %get3A_3 = arith.constant 0 : index
    %get3A_4 = vector.load %arg2[%get3A_2, %get3A_3] : memref<1000x128xf32, #tpu.memory_space<vmem>>, vector<1000x128xf32>
    %get3A_5 = arith.constant 0 : index
    %get3A_6 = arith.constant 0 : index
    %get3A_7 = arith.constant 0 : index
    %get3A_8 = vector.load %arg3[%get3A_5, %get3A_6, %get3A_7] : memref<2x1000x128xf32, #tpu.memory_space<vmem>>, vector<1x1000x128xf32>
    %get3A_9 = vector.shape_cast %get3A_8 : vector<1x1000x128xf32> to vector<1000x128xf32>
    %add3A = arith.addf %get3A_4, %get3A_9 : vector<1000x128xf32>
    %get3A_10 = arith.constant 1 : index
    %get3A_11 = arith.constant 0 : index
    %get3A_12 = arith.constant 0 : index
    %get3A_13 = vector.load %arg3[%get3A_10, %get3A_11, %get3A_12] : memref<2x1000x128xf32, #tpu.memory_space<vmem>>, vector<1x1000x128xf32>
    %get3A_14 = vector.shape_cast %get3A_13 : vector<1x1000x128xf32> to vector<1000x128xf32>
    %add3A_15 = arith.addf %add3A, %get3A_14 : vector<1000x128xf32>
    %mul3A = vector.broadcast %rsqrt3A : vector<1000x1xf32> to vector<1000x128xf32>
    %mul3A_16 = arith.mulf %add3A_15, %mul3A : vector<1000x128xf32>
    %get3A_17 = arith.constant 0 : index
    %get3A_18 = arith.constant 0 : index
    %get3A_19 = vector.load %arg4[%get3A_17, %get3A_18] : memref<1x128xf32, #tpu.memory_space<vmem>>, vector<1x128xf32>
    %add3A_20 = vector.broadcast %get3A_19 : vector<1x128xf32> to vector<1000x128xf32>
    %add3A_21 = arith.addf %mul3A_16, %add3A_20 : vector<1000x128xf32>
    %max3A = arith.constant 0.000000e+00 : f32
    %max3A_22 = vector.broadcast %max3A : f32 to vector<1000x128xf32>
    %max3A_23 = arith.maximumf %add3A_21, %max3A_22 : vector<1000x128xf32>
    %mul3A_24 = arith.mulf %max3A_23, %max3A_23 : vector<1000x128xf32>
    %reduce_sum3A = arith.constant dense<0.000000e+00> : vector<1000xf32>
    %reduce_sum3A_25 = vector.multi_reduction <add>, %mul3A_24, %reduce_sum3A [1] : vector<1000x128xf32> to vector<1000xf32>
    %broadcast_in_dim3A = vector.shape_cast %reduce_sum3A_25 : vector<1000xf32> to vector<1000x1xf32>
    %sqrt3A = math.sqrt %broadcast_in_dim3A : vector<1000x1xf32>
    %max3A_26 = arith.constant 9.99999996E-13 : f32
    %max3A_27 = vector.broadcast %max3A_26 : f32 to vector<1000x1xf32>
    %max3A_28 = arith.maximumf %sqrt3A, %max3A_27 : vector<1000x1xf32>
    %div3A = vector.broadcast %max3A_28 : vector<1000x1xf32> to vector<1000x128xf32>
    %div3A_29 = arith.divf %max3A_23, %div3A : vector<1000x128xf32>
    %swap3A = arith.constant 0 : index
    %swap3A_30 = arith.constant 0 : index
    %swap3A_31 = vector.load %arg5[%swap3A, %swap3A_30] : memref<1000x128xf32, #tpu.memory_space<vmem>>, vector<1000x128xf32>
    tpu.vector_store %arg5[%swap3A, %swap3A_30], %div3A_29 {strides = array<i32>} : memref<1000x128xf32, #tpu.memory_space<vmem>>, vector<1000x128xf32>,
    return
  }
  func.func @transform_0(%arg0: i32) -> (i32, i32) {
    %c0_i32 = arith.constant 0 : i32
    %c0_i32_0 = arith.constant 0 : i32
    return %arg0, %c0_i32 : i32, i32
  }
  func.func @transform_1(%arg0: i32) -> (i32, i32) {
    %c0_i32 = arith.constant 0 : i32
    %c0_i32_0 = arith.constant 0 : i32
    return %arg0, %c0_i32 : i32, i32
  }
  func.func @transform_2(%arg0: i32) -> (i32, i32, i32) {
    %c0_i32 = arith.constant 0 : i32
    %c0_i32_0 = arith.constant 0 : i32
    %c0_i32_1 = arith.constant 0 : i32
    return %c0_i32, %arg0, %c0_i32_0 : i32, i32, i32
  }
  func.func @transform_3(%arg0: i32) -> (i32, i32) {
    %c0_i32 = arith.constant 0 : i32
    %c0_i32_0 = arith.constant 0 : i32
    %c0_i32_1 = arith.constant 0 : i32
    return %c0_i32, %c0_i32_0 : i32, i32
  }
  func.func @transform_4(%arg0: i32) -> (i32, i32) {
    %c0_i32 = arith.constant 0 : i32
    %c0_i32_0 = arith.constant 0 : i32
    return %arg0, %c0_i32 : i32, i32
  }
}

</mosaic_0001>

<sc_bundles>
// kernel: kernel.12.cloned.1.call-start
scs
__scs_entry_jumppad:
0x0: {  	(pc) =	sbr.rel $0x88, $3  }
0x1: {  	(tag) =	ssettag $0x0;
	lr =	simm.s32 $0x1  }
0x2: {  	[smem:$0x3F9B] =	sst lr;
	_ =	strace $0xD0000000  }
0x3: {  	_ = 	snop  }
0x4: {  	_ = 	snop  }
0x5: {  	_ = 	snop  }
0x6: {  	_ = 	snop  }
0x7: {  	_ = 	snop  }
__scs_overlays_trampoline_lowered:
0x8: {  	[smem:$0x3FAA] =	sst s0  }
0x9: {  	[smem:$0x3FAB] =	sst s1  }
0xa: {  	[smem:$0x3FAC] =	sst s2  }
0xb: {  	[smem:$0x3FAD] =	sst s3  }
0xc: {  	[smem:$0x3FAE] =	sst s4  }
0xd: {  	[smem:$0x3FAF] =	sst s5  }
0xe: {  	[smem:$0x3FB0] =	sst s6  }
0xf: {  	[smem:$0x3FB1] =	sst s7  }
0x10: {  	[smem:$0x3FB2] =	sst s8  }
0x11: {  	[smem:$0x3FB3] =	sst s9;
	s0 =	simm.s32 @!p0 $0x0  }
0x12: {  	s1 =	sld [smem:$0x3F99];
	s0 =	simm.s32 @p0 $0x1  }
0x13: {  	[smem:$0x3FB4] =	sst s0;
	s0 =	simm.s32 @!p1 $0x0  }
0x14: {  	s2 =	sld [smem:$0x3F98];
	s0 =	simm.s32 @p1 $0x1  }
0x15: {  	[smem:$0x3FB5] =	sst s0;
	s0 =	simm.s32 @!p2 $0x0  }
0x16: {  	s3 =	sld [smem:$0x3FDB];
	s0 =	simm.s32 @p2 $0x1  }
0x17: {  	s4 =	simm.s32 $0x1BF5;
	[smem:$0x3FB7] =	sst s0  }
0x18: {  	s0 =	sld [smem:$0x3F9A];
	_ =	swait.ge [sflag:s4], $0x0  }
0x19: {  	s7 =	sld [smem:$0x3F9B]  }
0x1a: {  	s8 =	sadd.s32 $0xFFFFE003, lr  }
0x1b: {  	s9 =	sadd.s32 $0xFFFFFEF7, lr;
	s5 =	simm.s32 $0xFFFFFFFF;
	p2 =	slt.u32 s8, $0xFFFFF086  }
0x1c: {  	p1 =	slt.u32 s9, $0xF7A;
	s5 =	simm.s32 @!p2 $0x0  }
0x1d: {  	s5 =	simm.s32 @p1 $0x1;
	p0 =	seq.s32 s7, s2  }
0x1e: {  	s7 =	smul.u32 @!p0 $0xF7A, s2;
	p2 =	seq.s32 @!p0 s5, $0x0  }
0x1f: {  	s9 =	smul.u32 $0xF7A, s1;
	s8 =	simm.s32 @!p0 $0x1BF5;
	p2 =	por !p2, p0  }
0x20: {  	[sflag:s8] =	ssyncset.s32 @!p0 $0xFFFFF086;
	s6 =	sadd.s32 @!p0 s3, s7;
	s7 =	simm.s32 @!p0 $0x108  }
0x21: {  	s3 =	sadd.s32 s3, s9;
	s6 =	sadd.s32 @!p0 $0x88, s6;
	s7 =	simm.s32 @p2 $0x1082  }
0x22: {  	[simem:s7], [sflag:s8] =	dma.local @!p0 [hbm:s6], $0xF7A  }
0x23: {  	s9 =	sor.u32 $0xD0000000, s2;
	s6 =	simm.s32 $0x108;
	_ =	swait.ge @!p0 [sflag:s8], $0x0  }
0x24: {  	s3 =	sadd.s32 $0x88, s3;
	s6 =	simm.s32 @!p1 $0x1082;
	[sflag:s4] =	ssyncset.s32 $0xFFFFF086  }
0x25: {  	[simem:s6], [sflag:s4] =	dma.local [hbm:s3], $0xF7A  }
0x26: {  	[smem:$0x3F9B] =	sst s1;
	(tag) =	ssettag s2;
	_ =	strace s9  }
0x27: {  	s1 =	sld [smem:$0x3FAB]  }
0x28: {  	s2 =	sld [smem:$0x3FAC]  }
0x29: {  	s4 =	sld [smem:$0x3FAE]  }
0x2a: {  	p0 =	seq.s32 s5, $0x0;
	s5 =	sld [smem:$0x3FAF]  }
0x2b: {  	s6 =	sld [smem:$0x3FB0]  }
0x2c: {  	s7 =	sld [smem:$0x3FB1]  }
0x2d: {  	s3 =	simm.s32 $0x108;
	s8 =	sld [smem:$0x3FB2]  }
0x2e: {  	s3 =	simm.s32 @!p0 $0x1082;
	s9 =	sld [smem:$0x3FB3]  }
0x2f: {  	lr =	sadd.s32 s0, s3;
	s0 =	sld [smem:$0x3FAA]  }
0x30: {  	s3 =	sld [smem:$0x3FAD]  }
0x31: {  	[smem:$0x3FB6] =	sst s10  }
0x32: {  	s10 =	sld [smem:$0x3FB4];
	_ =	sdelay $0x3  }
0x33: {  	p0 =	seq.s32 s10, $0x1;
	s10 =	sld [smem:$0x3FB6];
	_ =	sdelay $0x3  }
0x34: {  	[smem:$0x3FB6] =	sst s10  }
0x35: {  	s10 =	sld [smem:$0x3FB5];
	_ =	sdelay $0x3  }
0x36: {  	p1 =	seq.s32 s10, $0x1;
	s10 =	sld [smem:$0x3FB6];
	_ =	sdelay $0x3  }
0x37: {  	[smem:$0x3FB6] =	sst s10  }
0x38: {  	s10 =	sld [smem:$0x3FB7]  }
0x39: {  	_ = 	snop;
	(pc) =	sbr.ind lr, $3  }
0x3a: {  	_ = 	snop  }
0x3b: {  	_ = 	snop  }
0x3c: {  	p2 =	seq.s32 s10, $0x1;
	s10 =	sld [smem:$0x3FB6]  }
0x3d: {  	_ =	shalt  }
0x3e: {  	_ =	shalt  }
0x3f: {  	_ =	shalt  }
0x40: {  	_ =	shalt  }
0x41: {  	_ =	shalt  }
0x42: {  	_ =	shalt  }
0x43: {  	_ =	shalt  }
0x44: {  	_ =	shalt  }
0x45: {  	_ =	shalt  }
0x46: {  	_ =	shalt  }
0x47: {  	_ =	shalt  }
0x48: {  	_ =	shalt  }
0x49: {  	_ =	shalt  }
0x4a: {  	_ =	shalt  }
0x4b: {  	_ =	shalt  }
0x4c: {  	_ =	shalt  }
0x4d: {  	_ =	shalt  }
0x4e: {  	_ =	shalt  }
0x4f: {  	_ =	shalt  }
0x50: {  	_ =	shalt  }
0x51: {  	_ =	shalt  }
0x52: {  	_ =	shalt  }
0x53: {  	_ =	shalt  }
0x54: {  	_ =	shalt  }
0x55: {  	_ =	shalt  }
0x56: {  	_ =	shalt  }
0x57: {  	_ =	shalt  }
0x58: {  	_ =	shalt  }
0x59: {  	_ =	shalt  }
0x5a: {  	_ =	shalt  }
0x5b: {  	_ =	shalt  }
0x5c: {  	_ =	shalt  }
0x5d: {  	_ =	shalt  }
0x5e: {  	_ =	shalt  }
0x5f: {  	_ =	shalt  }
0x60: {  	_ =	shalt  }
0x61: {  	_ =	shalt  }
0x62: {  	_ =	shalt  }
0x63: {  	_ =	shalt  }
0x64: {  	_ =	shalt  }
0x65: {  	_ =	shalt  }
0x66: {  	_ =	shalt  }
0x67: {  	_ =	shalt  }
0x68: {  	_ =	shalt  }
0x69: {  	_ =	shalt  }
0x6a: {  	_ =	shalt  }
0x6b: {  	_ =	shalt  }
0x6c: {  	_ =	shalt  }
0x6d: {  	_ =	shalt  }
0x6e: {  	_ =	shalt  }
0x6f: {  	_ =	shalt  }
0x70: {  	_ =	shalt  }
0x71: {  	_ =	shalt  }
0x72: {  	_ =	shalt  }
0x73: {  	_ =	shalt  }
0x74: {  	_ =	shalt  }
0x75: {  	_ =	shalt  }
0x76: {  	_ =	shalt  }
0x77: {  	_ =	shalt  }
0x78: {  	_ =	shalt  }
0x79: {  	_ =	shalt  }
0x7a: {  	_ =	shalt  }
0x7b: {  	_ =	shalt  }
0x7c: {  	_ =	shalt  }
0x7d: {  	_ =	shalt  }
0x7e: {  	_ =	shalt  }
0x7f: {  	_ =	shalt  }
0x80: {  	_ =	shalt  }
0x81: {  	_ =	shalt  }
0x82: {  	_ =	shalt  }
0x83: {  	_ =	shalt  }
0x84: {  	_ =	shalt  }
0x85: {  	_ =	shalt  }
0x86: {  	_ =	shalt  }
0x87: {  	_ =	shalt  }
.Lfunc_end0:
.L_simem_size_0:
called_computation.1_lowered:
.L_overlay_start_0:
0x88: {  	s2 =	sld [smem:$0x3FD9]  }
0x89: {  	s3 =	sld [smem:$0x3FFE];
	_ =	sdelay $0x1  }
0x8a: {  	s1 =	srdreg.scid  }
0x8b: {  	s0 =	sand.u32 $0x1, s1  }
0x8c: {  	s17 =	sshll.u32 s0, $0xA;
	s2 =	sadd.s32 s3, s2  }
0x8d: {  	s2 =	sadd.s32 s2, s17  }
0x8e: {  	[smem:$0x3FC2] =	sst s2  }
0x8f: {  	_ = 	snop  }
0x90: {  	s2 =	sld [smem:$0x3FD0];
	(tm) =	ssettm $0x1  }
0x91: {  	s18 =	sld [smem:$0x3FFB];
	_ =	sdelay $0x3  }
0x92: {  	_ =	strace s18  }
0x93: {  	s3 =	sld [smem:$0x3FFC];
	_ =	sdelay $0x3  }
0x94: {  	_ =	strace s3  }
0x95: {  	s3 =	sld [smem:$0x3FFD];
	_ =	sdelay $0x3  }
0x96: {  	_ =	strace s3  }
0x97: {  	_ =	strace $0x8FFFFFFF  }
0x98: {  	s19 =	sld [smem:$0x3FDB];
	_ =	sdelay $0x1  }
0x99: {  	s4 =	simm.s32 $_scs_section_size  }
0x9a: {  	s5 =	simm.s32 $_size__tile_overlayer_lowered;
	s6 =	simm.s32 $_tile_overlayer_lowered  }
0x9b: {  	s22 =	simm.s32 $0x1BFF;
	s21 =	sshll.u32 s6, $0x1;
	s3 =	sadd.s32 s4, s19  }
0x9c: {  	s7 =	simm.s32 $0x0;
	s20 =	sshll.u32 s5, $0x1;
	s5 =	sadd.s32 s21, s3  }
0x9d: {  	[timem:s7], [sflag:s22] =	dma.local [hbm:s5], s20  }
0x9e: {  	_ =	swait.ge [sflag:s22], s20  }
0x9f: {  	s4 =	ssub.s32 $0x0, s20;
	[sflag:s22] =	ssyncset.done $0x0  }
0xa0: {  	[sflag:s22] =	ssyncadd.s32 s4;
	_ =	sdelay $0x1  }
0xa1: {  	s23 =	simm.s32 $0x1B8B  }
0xa2: {  	_ =	swait.ge [sflag:s23], $0x1  }
0xa3: {  	[sflag:s23] =	ssyncset.done $0x0  }
0xa4: {  	s25 =	simm.s32 $0x1B8E;
	s24 =	sld [smem:$0x3FFE];
	[sflag:s23] =	ssyncadd.s32 $0xFFFFFFFF  }
0xa5: {  	s26 =	simm.s32 $execute0_lowered;
	[smem:$0x3FD2] =	sst s25  }
0xa6: {  	s5 =	sshll.u32 s26, $0x1;
	_ =	strace $0x80000049;
	[dreg:$0x1] =	wrdreg $0xFFFFFFFF  }
0xa7: {  	s28 =	simm.s32 $_size_execute0_lowered;
	s3 =	sadd.s32 s3, s5;
	[dreg:$0x0] =	wrdreg $0x0  }
0xa8: {  	s5 =	sshll.u32 s28, $0x1;
	[dreg:$0x2] =	wrdreg s3  }
0xa9: {  	[dreg:$0x3] =	wrdreg s5  }
0xaa: {  	[dreg:$0x4] =	wrdreg $0xC0  }
0xab: {  	_ =	task [dreg:s7], $0x5FFFF  }
0xac: {  	[dreg:$0x1] =	wrdreg $0xFFFFFFFF  }
0xad: {  	[dreg:$0x0] =	wrdreg $0x60  }
0xae: {  	[dreg:$0x2] =	wrdreg s2  }
0xaf: {  	[dreg:$0x3] =	wrdreg s24  }
0xb0: {  	[dreg:$0x4] =	wrdreg $0x41000  }
0xb1: {  	[dreg:$0x5] =	wrdreg $0x9  }
0xb2: {  	_ =	task.clear_ibuf [dreg:s7], $0x6FFFF;
	_ =	strace $0x90000049  }
0xb3: {  	s29 =	simm.s32 $0x9;
	_ =	strace $0x8000004B  }
0xb4: {  	_ =	swait.ge [sflag:s29], $0x1  }
0xb5: {  	[sflag:s29] =	ssyncadd.s32 $0xFFFFFFFF  }
0xb6: {  	_ =	strace $0x9000004B  }
0xb7: {  	_ =	sfence  }
0xb8: {  	s30 =	sld [smem:$0x0];
	_ =	sdelay $0x2  }
0xb9: {  	s31 =	sshll.u32 s1, $0xD;
	s1 =	sshrl.u32 s1, $0x2  }
0xba: {  	s3 =	sand.u32 $0x4000, s31;
	s1 =	sadd.s32 s1, s30  }
0xbb: {  	s0 =	sor.u32 s3, s0;
	s1 =	sshll.u32 s1, $0x11  }
0xbc: {  	s0 =	sor.u32 s1, s0  }
0xbd: {  	s0 =	sadd.s32 $0x8F2B, s0  }
0xbe: {  	[sflag:s0] =	ssyncadd.remote.s32 $0x1  }
0xbf: {  	_ =	sfence.sel $0xFFFF  }
0xc0: {  	[dreg:$0x0] =	wrdreg $0xFFFFFFFF;
	(pc) =	sbr.abs _section_cstart, $3  }
0xc1: {  	[dreg:$0x1] =	wrdreg $0xFFFFFFFF  }
0xc2: {  	_ =	task.clear_ibuf [dreg:s7], $0x2FFFF;
	_ =	strace $0x9FFFFFFF  }
0xc3: {  	(tm) =	ssettm $0x7FFFFFFF  }
tec
execute0_lowered:
.L_overlay_start_1:
0x0: {  	(tag) =	ssettag $0x1  }
0x1: {  	s1 =	rddreg [dreg:$0x0]  }
0x2: {  	s7 =	rddreg [dreg:$0x1]  }
0x3: {  	s3 =	rddreg [dreg:$0x2]  }
0x4: {  	s0 =	rddreg [dreg:$0x3]  }
0x5: {  	s4 =	simm.s32 $0x0;
	s2 =	stileid.u32;
	s5 =	srdreg.scid  }
0x6: {  	[smem:$0x7FF] =	sst s4;
	s16 =	smul.u32 $0x2780, s2;
	s9 =	sand.u32 $0x1, s5  }
0x7: {  	s5 =	sadd.s32 $0x1A00, s7;
	s6 =	sadd.s32 $0xB800, s7;
	s11 =	smul.u32 $0x4F000, s2  }
0x8: {  	s14 =	sshll.u32 s2, $0x1;
	s28 =	sshll.u32 s2, $0x6;
	s30 =	sshll.u32 s2, $0x8  }
0x9: {  	_ =	strace $0x8000004A;
	s8 =	smul.u32 $0x27800, s9;
	s10 =	ssub.s32 $0x2, s9  }
0xa: {  	s29 =	sor.u32 s14, s9;
	s31 =	sshll.u32 s9, $0x7;
	s14 =	simm.s32 $0x80  }
0xb: {  	s12 =	sadd.s32 s16, s7;
	s25 =	sshrl.u32 s10, $0x1;
	s26 =	sshrl.u32 s11, $0x2  }
0xc: {  	s11 =	ssub.s32 $0x9E3, s29;
	s13 =	sadd.s32 s8, s7;
	s10 =	ssub.s32 s10, s25  }
0xd: {  	s15 =	sadd.s32 s26, s3;
	s7 =	sadd.s32 $0x15600, s12;
	s8 =	sor.u32 $0x1C01, s28  }
0xe: {  	s17 =	sadd.s32 $0x3CE00, s13;
	s9 =	smax.u32 s10, $0x1;
	s10 =	sshrl.u32 s11, $0x5  }
0xf: {  	s11 =	sor.u32 s31, s30;
	s12 =	sshrl.u32 s15, $0x3;
	s13 =	simm.s32 $0x1  }
0x10: {  	s15 =	simm.s32 $0x100;
	s16 =	sadd.s32 s16, s17;
	s17 =	simm.s32 $0x0  }
.LBB2_1:
0x11: {  	[spmem:s12], [sflag:s8] =	dma.local [hbm:s7], $0x2780  }
0x12: {  	p1 =	sne.s32 s10, $0x1  }
.Ltmp0:
0x13: {  	_ =	swait.ge [sflag:s13], $0x2780;
	(pc) =	sbr.rel @!p1 .LBB2_4-.Ltmp0, $4  }
0x14: {  	[sflag:s13] =	ssyncset.done $0x0  }
0x15: {  	[sflag:s13] =	ssyncadd.s32 $0xFFFFD880  }
0x16: {  	[bflag:$0x0] =	sbarrier.arrive $0xFFFF  }
0x17: {  	s18 =	sadd.s32 $0xFFFFFFFF, s10;
	s20 =	sshrl.u32 s11, $0x3;
	p0 =	por $0x0, $0x0  }
0x18: {  	s19 =	sadd.s32 s5, s20  }
0x19: {  	[tilespmem:s4], [sflag:$0x1] =	stream.linear.gather [hbm4b:s19+s4], $0x80, $0x38;
	[tilespmem:$0x17D00] =	vst v63  }
0x1a: {  	_ =	swait.ge [sflag:s13], $0x80  }
0x1b: {  	[sflag:s13] =	ssyncset.done $0x0  }
0x1c: {  	s31 =	sadd.s32 s6, s20;
	[sflag:s13] =	ssyncadd.s32 $0xFFFFFF80  }
0x1d: {  	[tilespmem:s14], [sflag:$0x1] =	stream.linear.gather [hbm4b:s31+s4], $0x80, $0x38;
	[tilespmem:$0x17D00] =	vst v63  }
0x1e: {  	_ =	swait.ge [sflag:s13], $0x80  }
0x1f: {  	[sflag:s13] =	ssyncset.done $0x0  }
0x20: {  	[sflag:s13] =	ssyncadd.s32 $0xFFFFFF80  }
0x21: {  	[tilespmem:s15], [sflag:$0x1] =	stream.indirect.gather [hbm4b:s1+s14], $0x80, s4, s14, $0xb8;
	[tilespmem:$0x17D00] =	vst v63  }
0x22: {  	p1 =	sne.s32 s18, $0x1;
	_ =	swait.ge [sflag:s13], $0x4000  }
.Ltmp1:
0x23: {  	[sflag:s13] =	ssyncset.done $0x0;
	(pc) =	sbr.rel @!p1 .LBB2_4-.Ltmp1, $4  }
0x24: {  	[sflag:s13] =	ssyncadd.s32 $0xFFFFC000  }
0x25: {  	[spmem:s3] =	stream.indirect.scatter.add.f32 [tilespmem:s15], [sflag:$0x1], $0x80, s14, s14, $0xb8;
	[tilespmem:$0x17D00] =	vst v63  }
0x26: {  	s18 =	sadd.s32 $0xFFFFFFFF, s18;
	s19 =	sadd.s32 $0x1000, s11;
	_ =	swait.ge [sflag:s13], $0x4000  }
0x27: {  	p0 =	por $0x1, $0x1;
	s20 =	sshrl.u32 s19, $0x3;
	[sflag:s13] =	ssyncset.done $0x0  }
.LBB2_3:
0x28: {  	p1 =	sne.s32 s18, $0x1;
	s21 =	sadd.s32 s5, s20;
	[sflag:s13] =	ssyncadd.s32 $0xFFFFC000  }
0x29: {  	[tilespmem:s4], [sflag:$0x1] =	stream.linear.gather [hbm4b:s21+s4], $0x80, $0x38;
	[tilespmem:$0x17D00] =	vst v63  }
0x2a: {  	s18 =	sadd.s32 $0xFFFFFFFF, s18;
	_ =	swait.ge [sflag:s13], $0x80  }
0x2b: {  	[sflag:s13] =	ssyncset.done $0x0  }
0x2c: {  	s20 =	sadd.s32 s6, s20;
	[sflag:s13] =	ssyncadd.s32 $0xFFFFFF80  }
0x2d: {  	[tilespmem:s14], [sflag:$0x1] =	stream.linear.gather [hbm4b:s20+s4], $0x80, $0x38;
	[tilespmem:$0x17D00] =	vst v63  }
0x2e: {  	_ =	swait.ge [sflag:s13], $0x80  }
0x2f: {  	[sflag:s13] =	ssyncset.done $0x0  }
0x30: {  	[sflag:s13] =	ssyncadd.s32 $0xFFFFFF80  }
0x31: {  	[tilespmem:s15], [sflag:$0x1] =	stream.indirect.gather [hbm4b:s1+s14], $0x80, s4, s14, $0xb8;
	[tilespmem:$0x17D00] =	vst v63  }
0x32: {  	_ =	swait.ge [sflag:s13], $0x4000  }
.Ltmp2:
0x33: {  	[sflag:s13] =	ssyncset.done $0x0;
	(pc) =	sbr.rel @p1 .LBB2_3-.Ltmp2, $4  }
0x34: {  	[sflag:s13] =	ssyncadd.s32 $0xFFFFC000  }
0x35: {  	[spmem:s3] =	stream.indirect.scatter.add.f32 [tilespmem:s15], [sflag:$0x1], $0x80, s14, s14, $0xb8;
	[tilespmem:$0x17D00] =	vst v63  }
0x36: {  	s19 =	sadd.s32 $0x1000, s19;
	_ =	swait.ge [sflag:s13], $0x4000  }
0x37: {  	s20 =	sshrl.u32 s19, $0x3;
	[sflag:s13] =	ssyncset.done $0x0  }
.LBB2_4:
0x38: {  	s18 =	sadd.s32 s5, s20;
	[sflag:s13] =	ssyncadd.s32 @p0 $0xFFFFC000  }
0x39: {  	[tilespmem:s4], [sflag:$0x1] =	stream.linear.gather [hbm4b:s18+s4], $0x80, $0x38;
	[tilespmem:$0x17D00] =	vst v63  }
0x3a: {  	_ =	swait.ge [sflag:s13], $0x80  }
0x3b: {  	[sflag:s13] =	ssyncset.done $0x0  }
0x3c: {  	s31 =	sadd.s32 s6, s20;
	[sflag:s13] =	ssyncadd.s32 $0xFFFFFF80  }
0x3d: {  	[tilespmem:s14], [sflag:$0x1] =	stream.linear.gather [hbm4b:s31+s4], $0x80, $0x38;
	[tilespmem:$0x17D00] =	vst v63  }
0x3e: {  	_ =	swait.ge [sflag:s13], $0x80  }
0x3f: {  	[sflag:s13] =	ssyncset.done $0x0  }
0x40: {  	[sflag:s13] =	ssyncadd.s32 $0xFFFFFF80  }
0x41: {  	[tilespmem:s15], [sflag:$0x1] =	stream.indirect.gather [hbm4b:s1+s14], $0x80, s4, s14, $0xb8;
	[tilespmem:$0x17D00] =	vst v63  }
0x42: {  	_ =	swait.ge [sflag:s13], $0x4000  }
0x43: {  	[sflag:s13] =	ssyncset.done $0x0  }
0x44: {  	[sflag:s13] =	ssyncadd.s32 $0xFFFFC000  }
0x45: {  	[spmem:s3] =	stream.indirect.scatter.add.f32 [tilespmem:s15], [sflag:$0x1], $0x80, s14, s14, $0xb8;
	[tilespmem:$0x17D00] =	vst v63  }
0x46: {  	_ =	swait.ge [sflag:s13], $0x4000  }
0x47: {  	s17 =	sadd.s32 $0x1, s17;
	[sflag:s13] =	ssyncset.done $0x0  }
0x48: {  	p0 =	sne.s32 s17, s9;
	[sflag:s13] =	ssyncadd.s32 $0xFFFFC000  }
.Ltmp3:
0x49: {  	[bflag:$0x0] =	sbarrier.arrive $0xFFFF;
	(pc) =	sbr.rel @p0 .LBB2_1-.Ltmp3, $4  }
0x4a: {  	[hbm:s16], [sflag:s8] =	dma.local [spmem:s12], $0x2780  }
0x4b: {  	_ =	swait.ge [sflag:s13], $0x2780  }
0x4c: {  	[sflag:s13] =	ssyncset.done $0x0  }
0x4d: {  	[sflag:s13] =	ssyncadd.s32 $0xFFFFD880  }
0x4e: {  	_ =	sfence.sel $0x180000  }
0x4f: {  	[bflag:$0x0] =	sbarrier.arrive $0xFFFF  }
0x50: {  	p0 =	sne.s32 s2, $0x0;
	_ =	strace $0x9000004A  }
0x51: {  	s0 =	sadd.s32 @!p0 $0x100000, s0;
	[bflag:$0x2] =	sbarrier.arrive $0xFFFF  }
0x52: {  	[sflag:s0] =	ssyncadd.tile.s32 @!p0 $0x1;
	_ =	shalt  }
.Lfunc_end2:
_tile_overlayer_lowered:
.L_overlay_start_2:
0x53: {  	(tag) =	ssettag $0x2  }
0x54: {  	s0 =	rddreg [dreg:$0x0];
	s2 =	stileid.u32  }
0x55: {  	s1 =	rddreg [dreg:$0x1];
	p0 =	sne.s32 s2, $0x0  }
0x56: {  	s3 =	rddreg [dreg:$0x2];
	[bflag:$0x3] =	sbarrier.arrive $0xFFFF;
	s2 =	simm.s32 @!p0 $0x1C01  }
0x57: {  	[timem:s3], [sflag:s2] =	dma.local @!p0 [hbm:s0], s1  }
0x58: {  	s0 =	simm.s32 @!p0 $0x1  }
0x59: {  	_ =	swait.ge @!p0 [sflag:s0], s1  }
0x5a: {  	s1 =	ssub.s32 @!p0 $0x0, s1;
	[sflag:s0] =	ssyncset.done @!p0 $0x0  }
0x5b: {  	[sflag:s0] =	ssyncadd.s32 @!p0 s1  }
0x5c: {  	[bflag:$0x3] =	sbarrier.arrive $0xFFFF  }
0x5d: {  	_ =	shalt  }

// kernel: kernel.15.cloned.1.call-start
scs
__scs_entry_jumppad:
0x0: {  	(pc) =	sbr.rel $0x88, $3  }
0x1: {  	(tag) =	ssettag $0x0;
	lr =	simm.s32 $0x1  }
0x2: {  	[smem:$0x3F9B] =	sst lr;
	_ =	strace $0xD0000000  }
0x3: {  	_ = 	snop  }
0x4: {  	_ = 	snop  }
0x5: {  	_ = 	snop  }
0x6: {  	_ = 	snop  }
0x7: {  	_ = 	snop  }
__scs_overlays_trampoline_lowered:
0x8: {  	[smem:$0x3FAA] =	sst s0  }
0x9: {  	[smem:$0x3FAB] =	sst s1  }
0xa: {  	[smem:$0x3FAC] =	sst s2  }
0xb: {  	[smem:$0x3FAD] =	sst s3  }
0xc: {  	[smem:$0x3FAE] =	sst s4  }
0xd: {  	[smem:$0x3FAF] =	sst s5  }
0xe: {  	[smem:$0x3FB0] =	sst s6  }
0xf: {  	[smem:$0x3FB1] =	sst s7  }
0x10: {  	[smem:$0x3FB2] =	sst s8  }
0x11: {  	[smem:$0x3FB3] =	sst s9;
	s0 =	simm.s32 @!p0 $0x0  }
0x12: {  	s1 =	sld [smem:$0x3F99];
	s0 =	simm.s32 @p0 $0x1  }
0x13: {  	[smem:$0x3FB4] =	sst s0;
	s0 =	simm.s32 @!p1 $0x0  }
0x14: {  	s2 =	sld [smem:$0x3F98];
	s0 =	simm.s32 @p1 $0x1  }
0x15: {  	[smem:$0x3FB5] =	sst s0;
	s0 =	simm.s32 @!p2 $0x0  }
0x16: {  	s3 =	sld [smem:$0x3FDB];
	s0 =	simm.s32 @p2 $0x1  }
0x17: {  	s4 =	simm.s32 $0x1BF5;
	[smem:$0x3FB7] =	sst s0  }
0x18: {  	s0 =	sld [smem:$0x3F9A];
	_ =	swait.ge [sflag:s4], $0x0  }
0x19: {  	s7 =	sld [smem:$0x3F9B]  }
0x1a: {  	s8 =	sadd.s32 $0xFFFFE003, lr  }
0x1b: {  	s9 =	sadd.s32 $0xFFFFFEF7, lr;
	s5 =	simm.s32 $0xFFFFFFFF;
	p2 =	slt.u32 s8, $0xFFFFF086  }
0x1c: {  	p1 =	slt.u32 s9, $0xF7A;
	s5 =	simm.s32 @!p2 $0x0  }
0x1d: {  	s5 =	simm.s32 @p1 $0x1;
	p0 =	seq.s32 s7, s2  }
0x1e: {  	s7 =	smul.u32 @!p0 $0xF7A, s2;
	p2 =	seq.s32 @!p0 s5, $0x0  }
0x1f: {  	s9 =	smul.u32 $0xF7A, s1;
	s8 =	simm.s32 @!p0 $0x1BF5;
	p2 =	por !p2, p0  }
0x20: {  	[sflag:s8] =	ssyncset.s32 @!p0 $0xFFFFF086;
	s6 =	sadd.s32 @!p0 s3, s7;
	s7 =	simm.s32 @!p0 $0x108  }
0x21: {  	s3 =	sadd.s32 s3, s9;
	s6 =	sadd.s32 @!p0 $0x88, s6;
	s7 =	simm.s32 @p2 $0x1082  }
0x22: {  	[simem:s7], [sflag:s8] =	dma.local @!p0 [hbm:s6], $0xF7A  }
0x23: {  	s9 =	sor.u32 $0xD0000000, s2;
	s6 =	simm.s32 $0x108;
	_ =	swait.ge @!p0 [sflag:s8], $0x0  }
0x24: {  	s3 =	sadd.s32 $0x88, s3;
	s6 =	simm.s32 @!p1 $0x1082;
	[sflag:s4] =	ssyncset.s32 $0xFFFFF086  }
0x25: {  	[simem:s6], [sflag:s4] =	dma.local [hbm:s3], $0xF7A  }
0x26: {  	[smem:$0x3F9B] =	sst s1;
	(tag) =	ssettag s2;
	_ =	strace s9  }
0x27: {  	s1 =	sld [smem:$0x3FAB]  }
0x28: {  	s2 =	sld [smem:$0x3FAC]  }
0x29: {  	s4 =	sld [smem:$0x3FAE]  }
0x2a: {  	p0 =	seq.s32 s5, $0x0;
	s5 =	sld [smem:$0x3FAF]  }
0x2b: {  	s6 =	sld [smem:$0x3FB0]  }
0x2c: {  	s7 =	sld [smem:$0x3FB1]  }
0x2d: {  	s3 =	simm.s32 $0x108;
	s8 =	sld [smem:$0x3FB2]  }
0x2e: {  	s3 =	simm.s32 @!p0 $0x1082;
	s9 =	sld [smem:$0x3FB3]  }
0x2f: {  	lr =	sadd.s32 s0, s3;
	s0 =	sld [smem:$0x3FAA]  }
0x30: {  	s3 =	sld [smem:$0x3FAD]  }
0x31: {  	[smem:$0x3FB6] =	sst s10  }
0x32: {  	s10 =	sld [smem:$0x3FB4];
	_ =	sdelay $0x3  }
0x33: {  	p0 =	seq.s32 s10, $0x1;
	s10 =	sld [smem:$0x3FB6];
	_ =	sdelay $0x3  }
0x34: {  	[smem:$0x3FB6] =	sst s10  }
0x35: {  	s10 =	sld [smem:$0x3FB5];
	_ =	sdelay $0x3  }
0x36: {  	p1 =	seq.s32 s10, $0x1;
	s10 =	sld [smem:$0x3FB6];
	_ =	sdelay $0x3  }
0x37: {  	[smem:$0x3FB6] =	sst s10  }
0x38: {  	s10 =	sld [smem:$0x3FB7]  }
0x39: {  	_ = 	snop;
	(pc) =	sbr.ind lr, $3  }
0x3a: {  	_ = 	snop  }
0x3b: {  	_ = 	snop  }
0x3c: {  	p2 =	seq.s32 s10, $0x1;
	s10 =	sld [smem:$0x3FB6]  }
0x3d: {  	_ =	shalt  }
0x3e: {  	_ =	shalt  }
0x3f: {  	_ =	shalt  }
0x40: {  	_ =	shalt  }
0x41: {  	_ =	shalt  }
0x42: {  	_ =	shalt  }
0x43: {  	_ =	shalt  }
0x44: {  	_ =	shalt  }
0x45: {  	_ =	shalt  }
0x46: {  	_ =	shalt  }
0x47: {  	_ =	shalt  }
0x48: {  	_ =	shalt  }
0x49: {  	_ =	shalt  }
0x4a: {  	_ =	shalt  }
0x4b: {  	_ =	shalt  }
0x4c: {  	_ =	shalt  }
0x4d: {  	_ =	shalt  }
0x4e: {  	_ =	shalt  }
0x4f: {  	_ =	shalt  }
0x50: {  	_ =	shalt  }
0x51: {  	_ =	shalt  }
0x52: {  	_ =	shalt  }
0x53: {  	_ =	shalt  }
0x54: {  	_ =	shalt  }
0x55: {  	_ =	shalt  }
0x56: {  	_ =	shalt  }
0x57: {  	_ =	shalt  }
0x58: {  	_ =	shalt  }
0x59: {  	_ =	shalt  }
0x5a: {  	_ =	shalt  }
0x5b: {  	_ =	shalt  }
0x5c: {  	_ =	shalt  }
0x5d: {  	_ =	shalt  }
0x5e: {  	_ =	shalt  }
0x5f: {  	_ =	shalt  }
0x60: {  	_ =	shalt  }
0x61: {  	_ =	shalt  }
0x62: {  	_ =	shalt  }
0x63: {  	_ =	shalt  }
0x64: {  	_ =	shalt  }
0x65: {  	_ =	shalt  }
0x66: {  	_ =	shalt  }
0x67: {  	_ =	shalt  }
0x68: {  	_ =	shalt  }
0x69: {  	_ =	shalt  }
0x6a: {  	_ =	shalt  }
0x6b: {  	_ =	shalt  }
0x6c: {  	_ =	shalt  }
0x6d: {  	_ =	shalt  }
0x6e: {  	_ =	shalt  }
0x6f: {  	_ =	shalt  }
0x70: {  	_ =	shalt  }
0x71: {  	_ =	shalt  }
0x72: {  	_ =	shalt  }
0x73: {  	_ =	shalt  }
0x74: {  	_ =	shalt  }
0x75: {  	_ =	shalt  }
0x76: {  	_ =	shalt  }
0x77: {  	_ =	shalt  }
0x78: {  	_ =	shalt  }
0x79: {  	_ =	shalt  }
0x7a: {  	_ =	shalt  }
0x7b: {  	_ =	shalt  }
0x7c: {  	_ =	shalt  }
0x7d: {  	_ =	shalt  }
0x7e: {  	_ =	shalt  }
0x7f: {  	_ =	shalt  }
0x80: {  	_ =	shalt  }
0x81: {  	_ =	shalt  }
0x82: {  	_ =	shalt  }
0x83: {  	_ =	shalt  }
0x84: {  	_ =	shalt  }
0x85: {  	_ =	shalt  }
0x86: {  	_ =	shalt  }
0x87: {  	_ =	shalt  }
.Lfunc_end0:
.L_simem_size_0:
called_computation.2_lowered:
.L_overlay_start_0:
0x88: {  	s2 =	sld [smem:$0x3FD9]  }
0x89: {  	s3 =	sld [smem:$0x3FFE];
	_ =	sdelay $0x1  }
0x8a: {  	s1 =	srdreg.scid  }
0x8b: {  	s0 =	sand.u32 $0x1, s1  }
0x8c: {  	s17 =	sshll.u32 s0, $0xA;
	s2 =	sadd.s32 s3, s2  }
0x8d: {  	s2 =	sadd.s32 s2, s17  }
0x8e: {  	[smem:$0x3FC2] =	sst s2  }
0x8f: {  	_ = 	snop  }
0x90: {  	s2 =	sld [smem:$0x3FD0];
	(tm) =	ssettm $0x1  }
0x91: {  	s18 =	sld [smem:$0x3FFB];
	_ =	sdelay $0x3  }
0x92: {  	_ =	strace s18  }
0x93: {  	s3 =	sld [smem:$0x3FFC];
	_ =	sdelay $0x3  }
0x94: {  	_ =	strace s3  }
0x95: {  	s3 =	sld [smem:$0x3FFD];
	_ =	sdelay $0x3  }
0x96: {  	_ =	strace s3  }
0x97: {  	_ =	strace $0x8FFFFFFF  }
0x98: {  	s19 =	sld [smem:$0x3FDB];
	_ =	sdelay $0x1  }
0x99: {  	s4 =	simm.s32 $_scs_section_size  }
0x9a: {  	s5 =	simm.s32 $_size__tile_overlayer_lowered;
	s6 =	simm.s32 $_tile_overlayer_lowered  }
0x9b: {  	s22 =	simm.s32 $0x1BFF;
	s21 =	sshll.u32 s6, $0x1;
	s3 =	sadd.s32 s4, s19  }
0x9c: {  	s7 =	simm.s32 $0x0;
	s20 =	sshll.u32 s5, $0x1;
	s5 =	sadd.s32 s21, s3  }
0x9d: {  	[timem:s7], [sflag:s22] =	dma.local [hbm:s5], s20  }
0x9e: {  	_ =	swait.ge [sflag:s22], s20  }
0x9f: {  	s4 =	ssub.s32 $0x0, s20;
	[sflag:s22] =	ssyncset.done $0x0  }
0xa0: {  	[sflag:s22] =	ssyncadd.s32 s4;
	_ =	sdelay $0x1  }
0xa1: {  	s23 =	simm.s32 $0x1B8B  }
0xa2: {  	_ =	swait.ge [sflag:s23], $0x1  }
0xa3: {  	[sflag:s23] =	ssyncset.done $0x0  }
0xa4: {  	s25 =	simm.s32 $0x1B8E;
	s24 =	sld [smem:$0x3FFE];
	[sflag:s23] =	ssyncadd.s32 $0xFFFFFFFF  }
0xa5: {  	s26 =	simm.s32 $execute0_lowered;
	[smem:$0x3FD2] =	sst s25  }
0xa6: {  	s5 =	sshll.u32 s26, $0x1;
	_ =	strace $0x8000004C;
	[dreg:$0x1] =	wrdreg $0xFFFFFFFF  }
0xa7: {  	s28 =	simm.s32 $_size_execute0_lowered;
	s3 =	sadd.s32 s3, s5;
	[dreg:$0x0] =	wrdreg $0x0  }
0xa8: {  	s5 =	sshll.u32 s28, $0x1;
	[dreg:$0x2] =	wrdreg s3  }
0xa9: {  	[dreg:$0x3] =	wrdreg s5  }
0xaa: {  	[dreg:$0x4] =	wrdreg $0xC0  }
0xab: {  	_ =	task [dreg:s7], $0x5FFFF  }
0xac: {  	[dreg:$0x1] =	wrdreg $0xFFFFFFFF  }
0xad: {  	[dreg:$0x0] =	wrdreg $0x60  }
0xae: {  	[dreg:$0x2] =	wrdreg s2  }
0xaf: {  	[dreg:$0x3] =	wrdreg s24  }
0xb0: {  	[dreg:$0x4] =	wrdreg $0x41000  }
0xb1: {  	[dreg:$0x5] =	wrdreg $0x9  }
0xb2: {  	_ =	task.clear_ibuf [dreg:s7], $0x6FFFF;
	_ =	strace $0x9000004C  }
0xb3: {  	s29 =	simm.s32 $0x9;
	_ =	strace $0x8000004E  }
0xb4: {  	_ =	swait.ge [sflag:s29], $0x1  }
0xb5: {  	[sflag:s29] =	ssyncadd.s32 $0xFFFFFFFF  }
0xb6: {  	_ =	strace $0x9000004E  }
0xb7: {  	_ =	sfence  }
0xb8: {  	s30 =	sld [smem:$0x0];
	_ =	sdelay $0x2  }
0xb9: {  	s31 =	sshll.u32 s1, $0xD;
	s1 =	sshrl.u32 s1, $0x2  }
0xba: {  	s3 =	sand.u32 $0x4000, s31;
	s1 =	sadd.s32 s1, s30  }
0xbb: {  	s0 =	sor.u32 s3, s0;
	s1 =	sshll.u32 s1, $0x11  }
0xbc: {  	s0 =	sor.u32 s1, s0  }
0xbd: {  	s0 =	sadd.s32 $0x8F2B, s0  }
0xbe: {  	[sflag:s0] =	ssyncadd.remote.s32 $0x1  }
0xbf: {  	_ =	sfence.sel $0xFFFF  }
0xc0: {  	[dreg:$0x0] =	wrdreg $0xFFFFFFFF;
	(pc) =	sbr.abs _section_cstart, $3  }
0xc1: {  	[dreg:$0x1] =	wrdreg $0xFFFFFFFF  }
0xc2: {  	_ =	task.clear_ibuf [dreg:s7], $0x2FFFF;
	_ =	strace $0x9FFFFFFF  }
0xc3: {  	(tm) =	ssettm $0x7FFFFFFF  }
tec
execute0_lowered:
.L_overlay_start_1:
0x0: {  	(tag) =	ssettag $0x1  }
0x1: {  	s1 =	rddreg [dreg:$0x0]  }
0x2: {  	s7 =	rddreg [dreg:$0x1]  }
0x3: {  	s3 =	rddreg [dreg:$0x2]  }
0x4: {  	s0 =	rddreg [dreg:$0x3]  }
0x5: {  	s4 =	simm.s32 $0x0;
	s2 =	stileid.u32;
	s5 =	srdreg.scid  }
0x6: {  	[smem:$0x7FF] =	sst s4;
	s16 =	smul.u32 $0x2780, s2;
	s9 =	sand.u32 $0x1, s5  }
0x7: {  	s5 =	sadd.s32 $0x1A00, s7;
	s6 =	sadd.s32 $0xB800, s7;
	s11 =	smul.u32 $0x4F000, s2  }
0x8: {  	s14 =	sshll.u32 s2, $0x1;
	s28 =	sshll.u32 s2, $0x6;
	s30 =	sshll.u32 s2, $0x8  }
0x9: {  	_ =	strace $0x8000004D;
	s8 =	smul.u32 $0x27800, s9;
	s10 =	ssub.s32 $0x2, s9  }
0xa: {  	s29 =	sor.u32 s14, s9;
	s31 =	sshll.u32 s9, $0x7;
	s14 =	simm.s32 $0x80  }
0xb: {  	s12 =	sadd.s32 s16, s7;
	s25 =	sshrl.u32 s10, $0x1;
	s26 =	sshrl.u32 s11, $0x2  }
0xc: {  	s11 =	ssub.s32 $0x9E3, s29;
	s13 =	sadd.s32 s8, s7;
	s10 =	ssub.s32 s10, s25  }
0xd: {  	s15 =	sadd.s32 s26, s3;
	s7 =	sadd.s32 $0x15600, s12;
	s8 =	sor.u32 $0x1C01, s28  }
0xe: {  	s17 =	sadd.s32 $0x3CE00, s13;
	s9 =	smax.u32 s10, $0x1;
	s10 =	sshrl.u32 s11, $0x5  }
0xf: {  	s11 =	sor.u32 s31, s30;
	s12 =	sshrl.u32 s15, $0x3;
	s13 =	simm.s32 $0x1  }
0x10: {  	s15 =	simm.s32 $0x100;
	s16 =	sadd.s32 s16, s17;
	s17 =	simm.s32 $0x0  }
.LBB2_1:
0x11: {  	[spmem:s12], [sflag:s8] =	dma.local [hbm:s7], $0x2780  }
0x12: {  	p1 =	sne.s32 s10, $0x1  }
.Ltmp0:
0x13: {  	_ =	swait.ge [sflag:s13], $0x2780;
	(pc) =	sbr.rel @!p1 .LBB2_4-.Ltmp0, $4  }
0x14: {  	[sflag:s13] =	ssyncset.done $0x0  }
0x15: {  	[sflag:s13] =	ssyncadd.s32 $0xFFFFD880  }
0x16: {  	[bflag:$0x0] =	sbarrier.arrive $0xFFFF  }
0x17: {  	s18 =	sadd.s32 $0xFFFFFFFF, s10;
	s20 =	sshrl.u32 s11, $0x3;
	p0 =	por $0x0, $0x0  }
0x18: {  	s19 =	sadd.s32 s5, s20  }
0x19: {  	[tilespmem:s4], [sflag:$0x1] =	stream.linear.gather [hbm4b:s19+s4], $0x80, $0x38;
	[tilespmem:$0x17D00] =	vst v63  }
0x1a: {  	_ =	swait.ge [sflag:s13], $0x80  }
0x1b: {  	[sflag:s13] =	ssyncset.done $0x0  }
0x1c: {  	s31 =	sadd.s32 s6, s20;
	[sflag:s13] =	ssyncadd.s32 $0xFFFFFF80  }
0x1d: {  	[tilespmem:s14], [sflag:$0x1] =	stream.linear.gather [hbm4b:s31+s4], $0x80, $0x38;
	[tilespmem:$0x17D00] =	vst v63  }
0x1e: {  	_ =	swait.ge [sflag:s13], $0x80  }
0x1f: {  	[sflag:s13] =	ssyncset.done $0x0  }
0x20: {  	[sflag:s13] =	ssyncadd.s32 $0xFFFFFF80  }
0x21: {  	[tilespmem:s15], [sflag:$0x1] =	stream.indirect.gather [hbm4b:s1+s14], $0x80, s4, s14, $0xb8;
	[tilespmem:$0x17D00] =	vst v63  }
0x22: {  	p1 =	sne.s32 s18, $0x1;
	_ =	swait.ge [sflag:s13], $0x4000  }
.Ltmp1:
0x23: {  	[sflag:s13] =	ssyncset.done $0x0;
	(pc) =	sbr.rel @!p1 .LBB2_4-.Ltmp1, $4  }
0x24: {  	[sflag:s13] =	ssyncadd.s32 $0xFFFFC000  }
0x25: {  	[spmem:s3] =	stream.indirect.scatter.add.f32 [tilespmem:s15], [sflag:$0x1], $0x80, s14, s14, $0xb8;
	[tilespmem:$0x17D00] =	vst v63  }
0x26: {  	s18 =	sadd.s32 $0xFFFFFFFF, s18;
	s19 =	sadd.s32 $0x1000, s11;
	_ =	swait.ge [sflag:s13], $0x4000  }
0x27: {  	p0 =	por $0x1, $0x1;
	s20 =	sshrl.u32 s19, $0x3;
	[sflag:s13] =	ssyncset.done $0x0  }
.LBB2_3:
0x28: {  	p1 =	sne.s32 s18, $0x1;
	s21 =	sadd.s32 s5, s20;
	[sflag:s13] =	ssyncadd.s32 $0xFFFFC000  }
0x29: {  	[tilespmem:s4], [sflag:$0x1] =	stream.linear.gather [hbm4b:s21+s4], $0x80, $0x38;
	[tilespmem:$0x17D00] =	vst v63  }
0x2a: {  	s18 =	sadd.s32 $0xFFFFFFFF, s18;
	_ =	swait.ge [sflag:s13], $0x80  }
0x2b: {  	[sflag:s13] =	ssyncset.done $0x0  }
0x2c: {  	s20 =	sadd.s32 s6, s20;
	[sflag:s13] =	ssyncadd.s32 $0xFFFFFF80  }
0x2d: {  	[tilespmem:s14], [sflag:$0x1] =	stream.linear.gather [hbm4b:s20+s4], $0x80, $0x38;
	[tilespmem:$0x17D00] =	vst v63  }
0x2e: {  	_ =	swait.ge [sflag:s13], $0x80  }
0x2f: {  	[sflag:s13] =	ssyncset.done $0x0  }
0x30: {  	[sflag:s13] =	ssyncadd.s32 $0xFFFFFF80  }
0x31: {  	[tilespmem:s15], [sflag:$0x1] =	stream.indirect.gather [hbm4b:s1+s14], $0x80, s4, s14, $0xb8;
	[tilespmem:$0x17D00] =	vst v63  }
0x32: {  	_ =	swait.ge [sflag:s13], $0x4000  }
.Ltmp2:
0x33: {  	[sflag:s13] =	ssyncset.done $0x0;
	(pc) =	sbr.rel @p1 .LBB2_3-.Ltmp2, $4  }
0x34: {  	[sflag:s13] =	ssyncadd.s32 $0xFFFFC000  }
0x35: {  	[spmem:s3] =	stream.indirect.scatter.add.f32 [tilespmem:s15], [sflag:$0x1], $0x80, s14, s14, $0xb8;
	[tilespmem:$0x17D00] =	vst v63  }
0x36: {  	s19 =	sadd.s32 $0x1000, s19;
	_ =	swait.ge [sflag:s13], $0x4000  }
0x37: {  	s20 =	sshrl.u32 s19, $0x3;
	[sflag:s13] =	ssyncset.done $0x0  }
.LBB2_4:
0x38: {  	s18 =	sadd.s32 s5, s20;
	[sflag:s13] =	ssyncadd.s32 @p0 $0xFFFFC000  }
0x39: {  	[tilespmem:s4], [sflag:$0x1] =	stream.linear.gather [hbm4b:s18+s4], $0x80, $0x38;
	[tilespmem:$0x17D00] =	vst v63  }
0x3a: {  	_ =	swait.ge [sflag:s13], $0x80  }
0x3b: {  	[sflag:s13] =	ssyncset.done $0x0  }
0x3c: {  	s31 =	sadd.s32 s6, s20;
	[sflag:s13] =	ssyncadd.s32 $0xFFFFFF80  }
0x3d: {  	[tilespmem:s14], [sflag:$0x1] =	stream.linear.gather [hbm4b:s31+s4], $0x80, $0x38;
	[tilespmem:$0x17D00] =	vst v63  }
0x3e: {  	_ =	swait.ge [sflag:s13], $0x80  }
0x3f: {  	[sflag:s13] =	ssyncset.done $0x0  }
0x40: {  	[sflag:s13] =	ssyncadd.s32 $0xFFFFFF80  }
0x41: {  	[tilespmem:s15], [sflag:$0x1] =	stream.indirect.gather [hbm4b:s1+s14], $0x80, s4, s14, $0xb8;
	[tilespmem:$0x17D00] =	vst v63  }
0x42: {  	_ =	swait.ge [sflag:s13], $0x4000  }
0x43: {  	[sflag:s13] =	ssyncset.done $0x0  }
0x44: {  	[sflag:s13] =	ssyncadd.s32 $0xFFFFC000  }
0x45: {  	[spmem:s3] =	stream.indirect.scatter.add.f32 [tilespmem:s15], [sflag:$0x1], $0x80, s14, s14, $0xb8;
	[tilespmem:$0x17D00] =	vst v63  }
0x46: {  	_ =	swait.ge [sflag:s13], $0x4000  }
0x47: {  	s17 =	sadd.s32 $0x1, s17;
	[sflag:s13] =	ssyncset.done $0x0  }
0x48: {  	p0 =	sne.s32 s17, s9;
	[sflag:s13] =	ssyncadd.s32 $0xFFFFC000  }
.Ltmp3:
0x49: {  	[bflag:$0x0] =	sbarrier.arrive $0xFFFF;
	(pc) =	sbr.rel @p0 .LBB2_1-.Ltmp3, $4  }
0x4a: {  	[hbm:s16], [sflag:s8] =	dma.local [spmem:s12], $0x2780  }
0x4b: {  	_ =	swait.ge [sflag:s13], $0x2780  }
0x4c: {  	[sflag:s13] =	ssyncset.done $0x0  }
0x4d: {  	[sflag:s13] =	ssyncadd.s32 $0xFFFFD880  }
0x4e: {  	_ =	sfence.sel $0x180000  }
0x4f: {  	[bflag:$0x0] =	sbarrier.arrive $0xFFFF  }
0x50: {  	p0 =	sne.s32 s2, $0x0;
	_ =	strace $0x9000004D  }
0x51: {  	s0 =	sadd.s32 @!p0 $0x100000, s0;
	[bflag:$0x2] =	sbarrier.arrive $0xFFFF  }
0x52: {  	[sflag:s0] =	ssyncadd.tile.s32 @!p0 $0x1;
	_ =	shalt  }
.Lfunc_end2:
_tile_overlayer_lowered:
.L_overlay_start_2:
0x53: {  	(tag) =	ssettag $0x2  }
0x54: {  	s0 =	rddreg [dreg:$0x0];
	s2 =	stileid.u32  }
0x55: {  	s1 =	rddreg [dreg:$0x1];
	p0 =	sne.s32 s2, $0x0  }
0x56: {  	s3 =	rddreg [dreg:$0x2];
	[bflag:$0x3] =	sbarrier.arrive $0xFFFF;
	s2 =	simm.s32 @!p0 $0x1C01  }
0x57: {  	[timem:s3], [sflag:s2] =	dma.local @!p0 [hbm:s0], s1  }
0x58: {  	s0 =	simm.s32 @!p0 $0x1  }
0x59: {  	_ =	swait.ge @!p0 [sflag:s0], s1  }
0x5a: {  	s1 =	ssub.s32 @!p0 $0x0, s1;
	[sflag:s0] =	ssyncset.done @!p0 $0x0  }
0x5b: {  	[sflag:s0] =	ssyncadd.s32 @!p0 s1  }
0x5c: {  	[bflag:$0x3] =	sbarrier.arrive $0xFFFF  }
0x5d: {  	_ =	shalt  }

// kernel: kernel.9.cloned.1.call-start
scs
__scs_entry_jumppad:
0x0: {  	(pc) =	sbr.rel $0x88, $3  }
0x1: {  	(tag) =	ssettag $0x0;
	lr =	simm.s32 $0x1  }
0x2: {  	[smem:$0x3F9B] =	sst lr;
	_ =	strace $0xD0000000  }
0x3: {  	_ = 	snop  }
0x4: {  	_ = 	snop  }
0x5: {  	_ = 	snop  }
0x6: {  	_ = 	snop  }
0x7: {  	_ = 	snop  }
__scs_overlays_trampoline_lowered:
0x8: {  	[smem:$0x3FAA] =	sst s0  }
0x9: {  	[smem:$0x3FAB] =	sst s1  }
0xa: {  	[smem:$0x3FAC] =	sst s2  }
0xb: {  	[smem:$0x3FAD] =	sst s3  }
0xc: {  	[smem:$0x3FAE] =	sst s4  }
0xd: {  	[smem:$0x3FAF] =	sst s5  }
0xe: {  	[smem:$0x3FB0] =	sst s6  }
0xf: {  	[smem:$0x3FB1] =	sst s7  }
0x10: {  	[smem:$0x3FB2] =	sst s8  }
0x11: {  	[smem:$0x3FB3] =	sst s9;
	s0 =	simm.s32 @!p0 $0x0  }
0x12: {  	s1 =	sld [smem:$0x3F99];
	s0 =	simm.s32 @p0 $0x1  }
0x13: {  	[smem:$0x3FB4] =	sst s0;
	s0 =	simm.s32 @!p1 $0x0  }
0x14: {  	s2 =	sld [smem:$0x3F98];
	s0 =	simm.s32 @p1 $0x1  }
0x15: {  	[smem:$0x3FB5] =	sst s0;
	s0 =	simm.s32 @!p2 $0x0  }
0x16: {  	s3 =	sld [smem:$0x3FDB];
	s0 =	simm.s32 @p2 $0x1  }
0x17: {  	s4 =	simm.s32 $0x1BF5;
	[smem:$0x3FB7] =	sst s0  }
0x18: {  	s0 =	sld [smem:$0x3F9A];
	_ =	swait.ge [sflag:s4], $0x0  }
0x19: {  	s7 =	sld [smem:$0x3F9B]  }
0x1a: {  	s8 =	sadd.s32 $0xFFFFE003, lr  }
0x1b: {  	s9 =	sadd.s32 $0xFFFFFEF7, lr;
	s5 =	simm.s32 $0xFFFFFFFF;
	p2 =	slt.u32 s8, $0xFFFFF086  }
0x1c: {  	p1 =	slt.u32 s9, $0xF7A;
	s5 =	simm.s32 @!p2 $0x0  }
0x1d: {  	s5 =	simm.s32 @p1 $0x1;
	p0 =	seq.s32 s7, s2  }
0x1e: {  	s7 =	smul.u32 @!p0 $0xF7A, s2;
	p2 =	seq.s32 @!p0 s5, $0x0  }
0x1f: {  	s9 =	smul.u32 $0xF7A, s1;
	s8 =	simm.s32 @!p0 $0x1BF5;
	p2 =	por !p2, p0  }
0x20: {  	[sflag:s8] =	ssyncset.s32 @!p0 $0xFFFFF086;
	s6 =	sadd.s32 @!p0 s3, s7;
	s7 =	simm.s32 @!p0 $0x108  }
0x21: {  	s3 =	sadd.s32 s3, s9;
	s6 =	sadd.s32 @!p0 $0x88, s6;
	s7 =	simm.s32 @p2 $0x1082  }
0x22: {  	[simem:s7], [sflag:s8] =	dma.local @!p0 [hbm:s6], $0xF7A  }
0x23: {  	s9 =	sor.u32 $0xD0000000, s2;
	s6 =	simm.s32 $0x108;
	_ =	swait.ge @!p0 [sflag:s8], $0x0  }
0x24: {  	s3 =	sadd.s32 $0x88, s3;
	s6 =	simm.s32 @!p1 $0x1082;
	[sflag:s4] =	ssyncset.s32 $0xFFFFF086  }
0x25: {  	[simem:s6], [sflag:s4] =	dma.local [hbm:s3], $0xF7A  }
0x26: {  	[smem:$0x3F9B] =	sst s1;
	(tag) =	ssettag s2;
	_ =	strace s9  }
0x27: {  	s1 =	sld [smem:$0x3FAB]  }
0x28: {  	s2 =	sld [smem:$0x3FAC]  }
0x29: {  	s4 =	sld [smem:$0x3FAE]  }
0x2a: {  	p0 =	seq.s32 s5, $0x0;
	s5 =	sld [smem:$0x3FAF]  }
0x2b: {  	s6 =	sld [smem:$0x3FB0]  }
0x2c: {  	s7 =	sld [smem:$0x3FB1]  }
0x2d: {  	s3 =	simm.s32 $0x108;
	s8 =	sld [smem:$0x3FB2]  }
0x2e: {  	s3 =	simm.s32 @!p0 $0x1082;
	s9 =	sld [smem:$0x3FB3]  }
0x2f: {  	lr =	sadd.s32 s0, s3;
	s0 =	sld [smem:$0x3FAA]  }
0x30: {  	s3 =	sld [smem:$0x3FAD]  }
0x31: {  	[smem:$0x3FB6] =	sst s10  }
0x32: {  	s10 =	sld [smem:$0x3FB4];
	_ =	sdelay $0x3  }
0x33: {  	p0 =	seq.s32 s10, $0x1;
	s10 =	sld [smem:$0x3FB6];
	_ =	sdelay $0x3  }
0x34: {  	[smem:$0x3FB6] =	sst s10  }
0x35: {  	s10 =	sld [smem:$0x3FB5];
	_ =	sdelay $0x3  }
0x36: {  	p1 =	seq.s32 s10, $0x1;
	s10 =	sld [smem:$0x3FB6];
	_ =	sdelay $0x3  }
0x37: {  	[smem:$0x3FB6] =	sst s10  }
0x38: {  	s10 =	sld [smem:$0x3FB7]  }
0x39: {  	_ = 	snop;
	(pc) =	sbr.ind lr, $3  }
0x3a: {  	_ = 	snop  }
0x3b: {  	_ = 	snop  }
0x3c: {  	p2 =	seq.s32 s10, $0x1;
	s10 =	sld [smem:$0x3FB6]  }
0x3d: {  	_ =	shalt  }
0x3e: {  	_ =	shalt  }
0x3f: {  	_ =	shalt  }
0x40: {  	_ =	shalt  }
0x41: {  	_ =	shalt  }
0x42: {  	_ =	shalt  }
0x43: {  	_ =	shalt  }
0x44: {  	_ =	shalt  }
0x45: {  	_ =	shalt  }
0x46: {  	_ =	shalt  }
0x47: {  	_ =	shalt  }
0x48: {  	_ =	shalt  }
0x49: {  	_ =	shalt  }
0x4a: {  	_ =	shalt  }
0x4b: {  	_ =	shalt  }
0x4c: {  	_ =	shalt  }
0x4d: {  	_ =	shalt  }
0x4e: {  	_ =	shalt  }
0x4f: {  	_ =	shalt  }
0x50: {  	_ =	shalt  }
0x51: {  	_ =	shalt  }
0x52: {  	_ =	shalt  }
0x53: {  	_ =	shalt  }
0x54: {  	_ =	shalt  }
0x55: {  	_ =	shalt  }
0x56: {  	_ =	shalt  }
0x57: {  	_ =	shalt  }
0x58: {  	_ =	shalt  }
0x59: {  	_ =	shalt  }
0x5a: {  	_ =	shalt  }
0x5b: {  	_ =	shalt  }
0x5c: {  	_ =	shalt  }
0x5d: {  	_ =	shalt  }
0x5e: {  	_ =	shalt  }
0x5f: {  	_ =	shalt  }
0x60: {  	_ =	shalt  }
0x61: {  	_ =	shalt  }
0x62: {  	_ =	shalt  }
0x63: {  	_ =	shalt  }
0x64: {  	_ =	shalt  }
0x65: {  	_ =	shalt  }
0x66: {  	_ =	shalt  }
0x67: {  	_ =	shalt  }
0x68: {  	_ =	shalt  }
0x69: {  	_ =	shalt  }
0x6a: {  	_ =	shalt  }
0x6b: {  	_ =	shalt  }
0x6c: {  	_ =	shalt  }
0x6d: {  	_ =	shalt  }
0x6e: {  	_ =	shalt  }
0x6f: {  	_ =	shalt  }
0x70: {  	_ =	shalt  }
0x71: {  	_ =	shalt  }
0x72: {  	_ =	shalt  }
0x73: {  	_ =	shalt  }
0x74: {  	_ =	shalt  }
0x75: {  	_ =	shalt  }
0x76: {  	_ =	shalt  }
0x77: {  	_ =	shalt  }
0x78: {  	_ =	shalt  }
0x79: {  	_ =	shalt  }
0x7a: {  	_ =	shalt  }
0x7b: {  	_ =	shalt  }
0x7c: {  	_ =	shalt  }
0x7d: {  	_ =	shalt  }
0x7e: {  	_ =	shalt  }
0x7f: {  	_ =	shalt  }
0x80: {  	_ =	shalt  }
0x81: {  	_ =	shalt  }
0x82: {  	_ =	shalt  }
0x83: {  	_ =	shalt  }
0x84: {  	_ =	shalt  }
0x85: {  	_ =	shalt  }
0x86: {  	_ =	shalt  }
0x87: {  	_ =	shalt  }
.Lfunc_end0:
.L_simem_size_0:
called_computation_lowered:
.L_overlay_start_0:
0x88: {  	s2 =	sld [smem:$0x3FD9]  }
0x89: {  	s3 =	sld [smem:$0x3FFE];
	_ =	sdelay $0x1  }
0x8a: {  	s1 =	srdreg.scid  }
0x8b: {  	s0 =	sand.u32 $0x1, s1  }
0x8c: {  	s17 =	sshll.u32 s0, $0xA;
	s2 =	sadd.s32 s3, s2  }
0x8d: {  	s2 =	sadd.s32 s2, s17  }
0x8e: {  	[smem:$0x3FC2] =	sst s2  }
0x8f: {  	_ = 	snop  }
0x90: {  	s2 =	sld [smem:$0x3FD0];
	(tm) =	ssettm $0x1  }
0x91: {  	s18 =	sld [smem:$0x3FFB];
	_ =	sdelay $0x3  }
0x92: {  	_ =	strace s18  }
0x93: {  	s3 =	sld [smem:$0x3FFC];
	_ =	sdelay $0x3  }
0x94: {  	_ =	strace s3  }
0x95: {  	s3 =	sld [smem:$0x3FFD];
	_ =	sdelay $0x3  }
0x96: {  	_ =	strace s3  }
0x97: {  	_ =	strace $0x8FFFFFFF  }
0x98: {  	s19 =	sld [smem:$0x3FDB];
	_ =	sdelay $0x1  }
0x99: {  	s4 =	simm.s32 $_scs_section_size  }
0x9a: {  	s5 =	simm.s32 $_size__tile_overlayer_lowered;
	s6 =	simm.s32 $_tile_overlayer_lowered  }
0x9b: {  	s22 =	simm.s32 $0x1BFF;
	s21 =	sshll.u32 s6, $0x1;
	s3 =	sadd.s32 s4, s19  }
0x9c: {  	s7 =	simm.s32 $0x0;
	s20 =	sshll.u32 s5, $0x1;
	s5 =	sadd.s32 s21, s3  }
0x9d: {  	[timem:s7], [sflag:s22] =	dma.local [hbm:s5], s20  }
0x9e: {  	_ =	swait.ge [sflag:s22], s20  }
0x9f: {  	s4 =	ssub.s32 $0x0, s20;
	[sflag:s22] =	ssyncset.done $0x0  }
0xa0: {  	[sflag:s22] =	ssyncadd.s32 s4;
	_ =	sdelay $0x1  }
0xa1: {  	s23 =	simm.s32 $0x1B8B  }
0xa2: {  	_ =	swait.ge [sflag:s23], $0x1  }
0xa3: {  	[sflag:s23] =	ssyncset.done $0x0  }
0xa4: {  	s25 =	simm.s32 $0x1B8E;
	s24 =	sld [smem:$0x3FFE];
	[sflag:s23] =	ssyncadd.s32 $0xFFFFFFFF  }
0xa5: {  	s26 =	simm.s32 $execute0_lowered;
	[smem:$0x3FD2] =	sst s25  }
0xa6: {  	s5 =	sshll.u32 s26, $0x1;
	_ =	strace $0x80000046;
	[dreg:$0x1] =	wrdreg $0xFFFFFFFF  }
0xa7: {  	s28 =	simm.s32 $_size_execute0_lowered;
	s3 =	sadd.s32 s3, s5;
	[dreg:$0x0] =	wrdreg $0x0  }
0xa8: {  	s5 =	sshll.u32 s28, $0x1;
	[dreg:$0x2] =	wrdreg s3  }
0xa9: {  	[dreg:$0x3] =	wrdreg s5  }
0xaa: {  	[dreg:$0x4] =	wrdreg $0xC0  }
0xab: {  	_ =	task [dreg:s7], $0x5FFFF  }
0xac: {  	[dreg:$0x1] =	wrdreg $0xFFFFFFFF  }
0xad: {  	[dreg:$0x0] =	wrdreg $0x60  }
0xae: {  	[dreg:$0x2] =	wrdreg s2  }
0xaf: {  	[dreg:$0x3] =	wrdreg s24  }
0xb0: {  	[dreg:$0x4] =	wrdreg $0x9  }
0xb1: {  	_ =	task.clear_ibuf [dreg:s7], $0x5FFFF;
	_ =	strace $0x90000046  }
0xb2: {  	s29 =	simm.s32 $0x9;
	_ =	strace $0x80000048  }
0xb3: {  	_ =	swait.ge [sflag:s29], $0x1  }
0xb4: {  	[sflag:s29] =	ssyncadd.s32 $0xFFFFFFFF  }
0xb5: {  	_ =	strace $0x90000048  }
0xb6: {  	_ =	sfence  }
0xb7: {  	s30 =	sld [smem:$0x0];
	_ =	sdelay $0x2  }
0xb8: {  	s31 =	sshll.u32 s1, $0xD;
	s1 =	sshrl.u32 s1, $0x2  }
0xb9: {  	s3 =	sand.u32 $0x4000, s31;
	s1 =	sadd.s32 s1, s30  }
0xba: {  	s0 =	sor.u32 s3, s0;
	s1 =	sshll.u32 s1, $0x11  }
0xbb: {  	s0 =	sor.u32 s1, s0  }
0xbc: {  	s0 =	sadd.s32 $0x8F2B, s0  }
0xbd: {  	[sflag:s0] =	ssyncadd.remote.s32 $0x1  }
0xbe: {  	_ =	sfence.sel $0xFFFF  }
0xbf: {  	[dreg:$0x0] =	wrdreg $0xFFFFFFFF;
	(pc) =	sbr.abs _section_cstart, $3  }
0xc0: {  	[dreg:$0x1] =	wrdreg $0xFFFFFFFF  }
0xc1: {  	_ =	task.clear_ibuf [dreg:s7], $0x2FFFF;
	_ =	strace $0x9FFFFFFF  }
0xc2: {  	(tm) =	ssettm $0x7FFFFFFF  }
0xc3: {  	_ =	shalt  }
tec
execute0_lowered:
.L_overlay_start_1:
0x0: {  	(tag) =	ssettag $0x1  }
0x1: {  	s3 =	rddreg [dreg:$0x0]  }
0x2: {  	s4 =	rddreg [dreg:$0x1]  }
0x3: {  	s0 =	rddreg [dreg:$0x2]  }
0x4: {  	s5 =	srdreg.scid;
	s1 =	stileid.u32  }
0x5: {  	s2 =	simm.s32 $0x0;
	s10 =	simm.s32 $0x0;
	s5 =	sand.u32 $0x1, s5  }
0x6: {  	s6 =	sshll.u32 s1, $0x1;
	[smem:$0x7FF] =	sst s2;
	s8 =	sshrl.u32 s1, $0x3  }
0x7: {  	s9 =	sshll.u32 s1, $0x7;
	s7 =	smul.u32 $0x4F00, s5;
	s6 =	sor.u32 s5, s6  }
0x8: {  	_ =	strace $0x80000047;
	s5 =	ssub.s32 $0x2, s5;
	s8 =	smul.u32 $0x13C00, s8  }
0x9: {  	s9 =	sand.u32 $0x380, s9;
	s6 =	smul.u32 $0x500, s6;
	s29 =	sshrl.u32 s5, $0x1  }
0xa: {  	s4 =	sadd.s32 s7, s4;
	s5 =	ssub.s32 s5, s29;
	s30 =	sor.u32 s9, s8  }
0xb: {  	s9 =	simm.s32 $0x400;
	s3 =	sadd.s32 s3, s6;
	s31 =	sadd.s32 $0x15600, s4  }
0xc: {  	s8 =	sshrl.u32 s30, $0x3;
	s4 =	smax.u32 s5, $0x1;
	s5 =	simm.s32 $0x1  }
0xd: {  	v0 =	vimm.f32 $0.0e+00;
	v1 =	vimm.f32 $1.000000000e+00;
	s6 =	simm.s32 $0x2800;
	s7 =	sadd.s32 s8, s31;
	s8 =	simm.s32 $0x80  }
.LBB2_1:
0xe: {  	[tilespmem:s2], [sflag:$0x1] =	stream.linear.gather [hbm4b:s3+s2], $0x2800, $0x38;
	[tilespmem:$0x4F80] =	vst v63  }
0xf: {  	_ =	swait.ge [sflag:s5], $0x2800  }
0x10: {  	[sflag:s5] =	ssyncset.done $0x0  }
0x11: {  	s11 =	simm.s32 $0x0;
	[sflag:s5] =	ssyncadd.s32 $0xFFFFD800  }
.LBB2_2:
0x12: {  	p0 =	sne.s32 s11, $0x9DC0  }
.Ltmp0:
0x13: {  	_ = 	snop;
	(pc) =	sbr.rel @p0 .LBB2_2-.Ltmp0, $3  }
0x14: {  	_ =	sdelay $0x1  }
0x15: {  	s12 =	sshra.s32 s11, $0x2  }
0x16: {  	s11 =	sadd.s32 $0x40, s11;
	[tilespmem:s12+$0x2800] =	vst v0  }
0x17: {  	s11 =	simm.s32 $0x1C0  }
.LBB2_4:
0x18: {  	s12 =	sshra.s32 s11, $0x2  }
0x19: {  	v2 =	vld [tilespmem:s12+$0xFFFFFF90];
	_ =	sdelay $0x7  }
0x1a: {  	[tilespmem:v2+s6+$0x0] =	vst.idx.add.f32.msk $0xffff, v1  }
0x1b: {  	v2 =	vld [tilespmem:s12+$0xFFFFFFA0];
	_ =	sdelay $0x7  }
0x1c: {  	[tilespmem:v2+s6+$0x0] =	vst.idx.add.f32.msk $0xffff, v1  }
0x1d: {  	v2 =	vld [tilespmem:s12+$0xFFFFFFB0];
	_ =	sdelay $0x7  }
0x1e: {  	[tilespmem:v2+s6+$0x0] =	vst.idx.add.f32.msk $0xffff, v1  }
0x1f: {  	v2 =	vld [tilespmem:s12+$0xFFFFFFC0];
	_ =	sdelay $0x7  }
0x20: {  	[tilespmem:v2+s6+$0x0] =	vst.idx.add.f32.msk $0xffff, v1  }
0x21: {  	v2 =	vld [tilespmem:s12+$0xFFFFFFD0];
	_ =	sdelay $0x7  }
0x22: {  	[tilespmem:v2+s6+$0x0] =	vst.idx.add.f32.msk $0xffff, v1  }
0x23: {  	v2 =	vld [tilespmem:s12+$0xFFFFFFE0];
	_ =	sdelay $0x7  }
0x24: {  	[tilespmem:v2+s6+$0x0] =	vst.idx.add.f32.msk $0xffff, v1  }
0x25: {  	v2 =	vld [tilespmem:s12+$0xFFFFFFF0];
	_ =	sdelay $0x7  }
0x26: {  	[tilespmem:v2+s6+$0x0] =	vst.idx.add.f32.msk $0xffff, v1  }
0x27: {  	v2 =	vld [tilespmem:s12+$0x0];
	_ =	sdelay $0x2  }
0x28: {  	p0 =	sne.s32 s11, $0x9FC0  }
.Ltmp1:
0x29: {  	_ = 	snop;
	(pc) =	sbr.rel @p0 .LBB2_4-.Ltmp1, $2  }
0x2a: {  	_ =	sdelay $0x2  }
0x2b: {  	s11 =	sadd.s32 $0x200, s11;
	[tilespmem:v2+s6+$0x0] =	vst.idx.add.f32.msk $0xffff, v1  }
0x2c: {  	s10 =	sadd.s32 $0x1, s10  }
0x2d: {  	p0 =	sne.s32 s10, s4  }
.Ltmp2:
0x2e: {  	_ = 	snop;
	(pc) =	sbr.rel @p0 .LBB2_1-.Ltmp2, $4  }
0x2f: {  	[hbm4b:s7+s8] =	stream.strided.scatter [tilespmem:s6], [sflag:$0x1], $0x2780, s9, s8, $0x38;
	[tilespmem:$0x4F80] =	vst v63  }
0x30: {  	_ =	swait.ge [sflag:s5], $0x2780  }
0x31: {  	[sflag:s5] =	ssyncset.done $0x0  }
0x32: {  	[sflag:s5] =	ssyncadd.s32 $0xFFFFD880  }
0x33: {  	_ =	sfence.sel $0x180000  }
0x34: {  	[bflag:$0x0] =	sbarrier.arrive $0xFFFF  }
0x35: {  	p0 =	sne.s32 s1, $0x0;
	_ =	strace $0x90000047  }
0x36: {  	s0 =	sadd.s32 @!p0 $0x100000, s0;
	[bflag:$0x2] =	sbarrier.arrive $0xFFFF  }
0x37: {  	[sflag:s0] =	ssyncadd.tile.s32 @!p0 $0x1;
	_ =	shalt  }
.Lfunc_end2:
_tile_overlayer_lowered:
.L_overlay_start_2:
0x38: {  	(tag) =	ssettag $0x2  }
0x39: {  	s0 =	rddreg [dreg:$0x0];
	s2 =	stileid.u32  }
0x3a: {  	s1 =	rddreg [dreg:$0x1];
	p0 =	sne.s32 s2, $0x0  }
0x3b: {  	s3 =	rddreg [dreg:$0x2];
	[bflag:$0x3] =	sbarrier.arrive $0xFFFF;
	s2 =	simm.s32 @!p0 $0x1C01  }
0x3c: {  	[timem:s3], [sflag:s2] =	dma.local @!p0 [hbm:s0], s1  }
0x3d: {  	s0 =	simm.s32 @!p0 $0x1  }
0x3e: {  	_ =	swait.ge @!p0 [sflag:s0], s1  }
0x3f: {  	s1 =	ssub.s32 @!p0 $0x0, s1;
	[sflag:s0] =	ssyncset.done @!p0 $0x0  }
0x40: {  	[sflag:s0] =	ssyncadd.s32 @!p0 s1  }
0x41: {  	[bflag:$0x3] =	sbarrier.arrive $0xFFFF  }
0x42: {  	_ =	shalt  }

</sc_bundles>
